<compile_context>
chip_gen: v7x
topology: tpu7x:2x2x1
jax: 0.10.2.dev20260603
libtpu: 0.0.44.dev20260713+nightly
codegen_flags: <defaults>
</compile_context>

<pallas_src>
import functools

import jax
import jax.numpy as jnp
from jax import lax
from jax.experimental import pallas as pl
from jax.experimental.pallas import tpu as pltpu
from jax.experimental.pallas import tpu_sc as plsc

_NJ = 256
_FG_MAX = 64
_FG_THRESH = 0.5
_BG_KEY_OFFSET = 32768.0


def _keep_body(G, M, R, gt_s, x1r, y1r, x2r, y2r,
               keep_ref, fgt_ref, aidx_ref, key_sc):
    f32 = jnp.float32
    x1v = x1r[0]
    y1v = y1r[0]
    x2v = x2r[0]
    y2v = y2r[0]
    area1 = (x2v - x1v + 1.0) * (y2v - y1v + 1.0)

    def g_step(g, carry):
        best, bidx = carry
        gx1 = gt_s[0, 0, g]
        gy1 = gt_s[0, 0, 64 + g]
        gx2 = gt_s[0, 0, 128 + g]
        gy2 = gt_s[0, 0, 192 + g]
        iw = jnp.maximum(jnp.minimum(x2v, gx2) - jnp.maximum(x1v, gx1) + 1.0, 0.0)
        ih = jnp.maximum(jnp.minimum(y2v, gy2) - jnp.maximum(y1v, gy1) + 1.0, 0.0)
        inter = iw * ih
        area2 = (gx2 - gx1 + 1.0) * (gy2 - gy1 + 1.0)
        iou = inter / (area1 + area2 - inter)
        upd = iou > best
        best = jnp.where(upd, iou, best)
        bidx = jnp.where(upd, g.astype(f32), bidx)
        return best, bidx

    mo, aidxf = lax.fori_loop(
        0, G, g_step,
        (jnp.full((R, 128), -1.0, f32), jnp.zeros((R, 128), f32)),
        unroll=10)
    aidx_ref[0] = aidxf

    ridx = lax.broadcasted_iota(jnp.int32, (R, 128), 0)
    cidx = lax.broadcasted_iota(jnp.int32, (R, 128), 1)
    valid = (ridx * 128 + cidx) < M
    fg = (mo >= _FG_THRESH) & valid
    bg = (mo < _FG_THRESH) & (mo >= 0.0) & valid
    fgf = fg.astype(f32)
    bgf = bg.astype(f32)

    li = lax.broadcasted_iota(jnp.int32, (128, 128), 0)
    lj = lax.broadcasted_iota(jnp.int32, (128, 128), 1)
    tri_inc = (li <= lj).astype(f32)
    ri = lax.broadcasted_iota(jnp.int32, (R, R), 0)
    rj = lax.broadcasted_iota(jnp.int32, (R, R), 1)
    tri_exc = (rj < ri).astype(f32)

    def ranks(maskf):
        csr = lax.dot_general(maskf, tri_inc, (((1,), (0,)), ((), ())),
                              preferred_element_type=f32)
        rowsum = csr[:, 127:128]
        offs = lax.dot_general(tri_exc, rowsum, (((1,), (0,)), ((), ())),
                               preferred_element_type=f32)
        return csr + offs - 1.0

    rank_fg = ranks(fgf)
    rank_bg = ranks(bgf)
    fgn_i = jnp.sum(fgf).astype(jnp.int32)
    bgn_i = jnp.sum(bgf).astype(jnp.int32)

    key = jnp.where(fg, rank_fg, jnp.where(bg, rank_bg + _BG_KEY_OFFSET, -5.0))
    key_sc[...] = key

    fg_this = jnp.where(
        fgn_i > 0,
        jnp.where(bgn_i > 0, jnp.minimum(jnp.int32(_FG_MAX), fgn_i),
                  jnp.int32(_NJ)),
        jnp.int32(0))
    jj = lax.broadcasted_iota(jnp.int32, (_NJ, 1), 0)
    tfg = lax.rem(jj, jnp.maximum(fgn_i, 1))
    tbg = lax.rem(jj - fg_this, jnp.maximum(bgn_i, 1))
    is_fg_slot = jj < fg_this
    tt = jnp.where(is_fg_slot, tfg,
                   tbg + jnp.int32(int(_BG_KEY_OFFSET))).astype(f32)

    laneiota = lax.broadcasted_iota(jnp.int32, (1, 128), 1).astype(f32)

    def r_step(r, acc):
        keyrow = key_sc[pl.ds(r, 1), :]
        sel = tt == keyrow
        mrow = laneiota + r.astype(f32) * 128.0
        return jnp.where(sel, mrow, acc)

    acc = lax.fori_loop(0, R, r_step, jnp.zeros((_NJ, 128), f32), unroll=8)
    keep = jnp.sum(acc, axis=1, keepdims=True)
    keep_ref[0] = keep
    fgt_ref[0] = jnp.full((1, 128), 1.0, f32) * fg_this.astype(f32)


def _gather_body(B, t0, t1, t2, t3, t4, rjg_hbm, o0, o1, o2, o3, o4,
                 idx0, idx1, buf0, buf1, sem):
    wid = lax.axis_index("s") * 2 + lax.axis_index("c")
    img = wid // 5
    feat = wid - img * 5

    @pl.when(wid < B * 5)
    def _():
        pltpu.sync_copy(rjg_hbm.at[img, pl.ds(0, 128)], idx0)
        pltpu.sync_copy(rjg_hbm.at[img, pl.ds(128, 128)], idx1)
        for f, (tab, out) in enumerate(
                ((t0, o0), (t1, o1), (t2, o2), (t3, o3), (t4, o4))):
            @pl.when(feat == f)
            def _(tab=tab, out=out):
                c0 = pltpu.async_copy(tab.at[idx0], buf0, sem)
                c1 = pltpu.async_copy(tab.at[idx1], buf1, sem)
                c0.wait()
                c1.wait()
                pltpu.sync_copy(buf0, out.at[img, pl.ds(0, 128)])
                pltpu.sync_copy(buf1, out.at[img, pl.ds(128, 128)])


def _out_body(fgt_s, keep_r, rx1, ry1, rx2, ry2, ra, gtm, out_ref):
    f32 = jnp.float32
    keep = keep_r[0]
    rjf = jnp.floor(keep * (1.0 / 128.0))
    cj = keep - rjf * 128.0
    laneiota = lax.broadcasted_iota(jnp.int32, (1, 128), 1).astype(f32)
    lanesel = cj == laneiota

    def lanepick(ref):
        return jnp.sum(jnp.where(lanesel, ref[0], 0.0), axis=1, keepdims=True)

    sx1 = lanepick(rx1)
    sy1 = lanepick(ry1)
    sx2 = lanepick(rx2)
    sy2 = lanepick(ry2)
    sa = lanepick(ra)
    fg_this = fgt_s[0, 0, 0].astype(jnp.int32)
    jj = lax.broadcasted_iota(jnp.int32, (_NJ, 1), 0)
    is_fg_slot = jj < fg_this

    giota = lax.broadcasted_iota(jnp.int32, (1, 64), 1).astype(f32)
    onehot = (sa == giota).astype(f32)
    gtr = lax.dot_general(onehot, gtm[0], (((1,), (1,)), ((), ())),
                          precision=lax.Precision.HIGHEST,
                          preferred_element_type=f32)
    gx1 = gtr[:, 0:1]
    gy1 = gtr[:, 1:2]
    gx2 = gtr[:, 2:3]
    gy2 = gtr[:, 3:4]
    gcls = gtr[:, 4:5]

    ex_w = sx2 - sx1 + 1.0
    ex_h = sy2 - sy1 + 1.0
    ex_cx = sx1 + 0.5 * ex_w
    ex_cy = sy1 + 0.5 * ex_h
    gt_w = gx2 - gx1 + 1.0
    gt_h = gy2 - gy1 + 1.0
    gt_cx = gx1 + 0.5 * gt_w
    gt_cy = gy1 + 0.5 * gt_h
    dx = (gt_cx - ex_cx) / ex_w
    dy = (gt_cy - ex_cy) / ex_h
    dw = jnp.log(gt_w / ex_w)
    dh = jnp.log(gt_h / ex_h)

    labelz = jnp.where(is_fg_slot, gcls, 0.0)
    fgm = labelz > 0.0
    tx = jnp.where(fgm, dx / 0.1, 0.0)
    ty = jnp.where(fgm, dy / 0.1, 0.0)
    tw = jnp.where(fgm, dw / 0.2, 0.0)
    th = jnp.where(fgm, dh / 0.2, 0.0)
    inw = jnp.where(fgm, 1.0, 0.0)

    outm = jnp.concatenate(
        [sx1, sy1, sx2, sy2, labelz, tx, ty, tw, th,
         inw, inw, inw, inw, inw, inw, inw, inw,
         jnp.zeros((_NJ, 7), f32)], axis=1)
    out_ref[0] = outm


def kernel(all_rois, gt_boxes, num_boxes):
    B, N, _ = all_rois.shape
    G = gt_boxes.shape[1]
    M = N + G
    R = -(-M // 128)
    Mpad = R * 128

    coords = jnp.concatenate([all_rois[:, :, 1:5], gt_boxes[:, :, :4]], axis=1)
    coords = jnp.pad(coords, ((0, 0), (0, Mpad - M), (0, 0)))
    ct = coords.transpose(0, 2, 1).reshape(B, 4, R, 128)
    x1, y1, x2, y2 = ct[:, 0], ct[:, 1], ct[:, 2], ct[:, 3]

    gt_t = jnp.swapaxes(gt_boxes, 1, 2)
    gt_pad = jnp.pad(gt_t, ((0, 0), (0, 0), (0, 64 - G)))
    gt_sm = gt_pad.reshape(B, 1, 320)
    gt_mm = jnp.pad(gt_pad, ((0, 0), (0, 3), (0, 0)))

    keep, fgt, aidx = pl.pallas_call(
        functools.partial(_keep_body, G, M, R),
        grid=(B,),
        in_specs=[
            pl.BlockSpec((1, 1, 320), lambda b: (b, 0, 0),
                         memory_space=pltpu.SMEM),
            pl.BlockSpec((1, R, 128), lambda b: (b, 0, 0)),
            pl.BlockSpec((1, R, 128), lambda b: (b, 0, 0)),
            pl.BlockSpec((1, R, 128), lambda b: (b, 0, 0)),
            pl.BlockSpec((1, R, 128), lambda b: (b, 0, 0)),
        ],
        out_specs=[
            pl.BlockSpec((1, _NJ, 1), lambda b: (b, 0, 0)),
            pl.BlockSpec((1, 1, 128), lambda b: (b, 0, 0)),
            pl.BlockSpec((1, R, 128), lambda b: (b, 0, 0)),
        ],
        out_shape=[
            jax.ShapeDtypeStruct((B, _NJ, 1), jnp.float32),
            jax.ShapeDtypeStruct((B, 1, 128), jnp.float32),
            jax.ShapeDtypeStruct((B, R, 128), jnp.float32),
        ],
        scratch_shapes=[
            pltpu.VMEM((R, 128), jnp.float32),
        ],
    )(gt_sm, x1, y1, x2, y2)

    rjg = (keep.reshape(B, _NJ).astype(jnp.int32) // 128
           + jnp.arange(B, dtype=jnp.int32)[:, None] * R)
    tabs = [a.reshape(B * R, 128) for a in (x1, y1, x2, y2, aidx)]

    row_shape = jax.ShapeDtypeStruct((B, _NJ, 128), jnp.float32)
    gx1, gy1, gx2, gy2, ga = pl.kernel(
        functools.partial(_gather_body, B),
        out_type=[row_shape] * 5,
        scratch_types=[
            pltpu.VMEM((128,), jnp.int32),
            pltpu.VMEM((128,), jnp.int32),
            pltpu.VMEM((128, 128), jnp.float32),
            pltpu.VMEM((128, 128), jnp.float32),
            pltpu.SemaphoreType.DMA,
        ],
        mesh=plsc.VectorSubcoreMesh(core_axis_name="c", subcore_axis_name="s"),
    )(tabs[0], tabs[1], tabs[2], tabs[3], tabs[4], rjg)

    out = pl.pallas_call(
        _out_body,
        grid=(B,),
        in_specs=[
            pl.BlockSpec((1, 1, 128), lambda b: (b, 0, 0),
                         memory_space=pltpu.SMEM),
            pl.BlockSpec((1, _NJ, 1), lambda b: (b, 0, 0)),
            pl.BlockSpec((1, _NJ, 128), lambda b: (b, 0, 0)),
            pl.BlockSpec((1, _NJ, 128), lambda b: (b, 0, 0)),
            pl.BlockSpec((1, _NJ, 128), lambda b: (b, 0, 0)),
            pl.BlockSpec((1, _NJ, 128), lambda b: (b, 0, 0)),
            pl.BlockSpec((1, _NJ, 128), lambda b: (b, 0, 0)),
            pl.BlockSpec((1, 8, 64), lambda b: (b, 0, 0)),
        ],
        out_specs=pl.BlockSpec((1, _NJ, 24), lambda b: (b, 0, 0)),
        out_shape=jax.ShapeDtypeStruct((B, _NJ, 24), jnp.float32),
    )(fgt.reshape(B, 1, 128), keep, gx1, gy1, gx2, gy2, ga, gt_mm)

    bcol = jnp.broadcast_to(
        jnp.arange(B, dtype=jnp.float32)[:, None, None], (B, _NJ, 1))
    rois = jnp.concatenate([bcol, out[:, :, 0:4]], axis=2)
    labels = out[:, :, 4]
    targets = out[:, :, 5:9]
    inside_w = out[:, :, 9:13]
    outside_w = out[:, :, 13:17]
    return rois, labels, targets, inside_w, outside_w

# --- scband reference (transcript-rebuilt; emitter-appended) ---
"""Pipeline reference for scband-proposal-target-layer-55121610277616 (READ-ONLY COPY).

The authoritative reference and input builder live on the scoring server;
editing this copy changes nothing except your own understanding.
"""

import jax, jax.numpy as jnp
import numpy as np

NCLASSES = 81
ROIS_PER_IMAGE = 256
FG_ROIS_PER_IMAGE = 64
FG_THRESH = 0.5
BG_THRESH_HI = 0.5
BG_THRESH_LO = 0.0
BBOX_NORMALIZE_MEANS = jnp.array([0.0, 0.0, 0.0, 0.0], dtype=jnp.float32)
BBOX_NORMALIZE_STDS = jnp.array([0.1, 0.1, 0.2, 0.2], dtype=jnp.float32)
BBOX_INSIDE_WEIGHTS = jnp.array([1.0, 1.0, 1.0, 1.0], dtype=jnp.float32)


def _make_boxes(key, B, N, W, H):
    k1, k2, k3, k4 = jax.random.split(key, 4)
    x1 = jax.random.uniform(k1, (B, N)) * (W - 120.0)
    y1 = jax.random.uniform(k2, (B, N)) * (H - 120.0)
    w = jax.random.uniform(k3, (B, N)) * 100.0 + 8.0
    h = jax.random.uniform(k4, (B, N)) * 100.0 + 8.0
    return jnp.stack([x1, y1, x1 + w, y1 + h], axis=2).astype(jnp.float32)


def setup_inputs(seed: int = 0):
    key = jax.random.key(seed)
    B, N, G, W, H = 4, 20000, 50, 1024.0, 1024.0
    kr, kg, kc = jax.random.split(key, 3)
    roi_boxes = _make_boxes(kr, B, N, W, H)
    all_rois = jnp.concatenate([jnp.zeros((B, N, 1), jnp.float32), roi_boxes], axis=2)
    gt_xyxy = _make_boxes(kg, B, G, W, H)
    gt_cls = jax.random.randint(kc, (B, G), 1, NCLASSES).astype(jnp.float32)
    gt_boxes = jnp.concatenate([gt_xyxy, gt_cls[:, :, None]], axis=2)
    num_boxes = jnp.full((B,), G, dtype=jnp.int32)
    return {"all_rois": all_rois, "gt_boxes": gt_boxes, "num_boxes": num_boxes}


def bbox_overlaps_batch(rois, gt):
    x11, y11, x12, y12 = rois[:, :, None, 0], rois[:, :, None, 1], rois[:, :, None, 2], rois[:, :, None, 3]
    x21, y21, x22, y22 = gt[:, None, :, 0], gt[:, None, :, 1], gt[:, None, :, 2], gt[:, None, :, 3]
    iw = jnp.clip(jnp.minimum(x12, x22) - jnp.maximum(x11, x21) + 1.0, 0.0, None)
    ih = jnp.clip(jnp.minimum(y12, y22) - jnp.maximum(y11, y21) + 1.0, 0.0, None)
    inter = iw * ih
    area1 = (x12 - x11 + 1.0) * (y12 - y11 + 1.0)
    area2 = (x22 - x21 + 1.0) * (y22 - y21 + 1.0)
    union = area1 + area2 - inter
    return inter / union


def bbox_transform_batch(ex_rois, gt_rois):
    ex_w = ex_rois[:, :, 2] - ex_rois[:, :, 0] + 1.0
    ex_h = ex_rois[:, :, 3] - ex_rois[:, :, 1] + 1.0
    ex_cx = ex_rois[:, :, 0] + 0.5 * ex_w
    ex_cy = ex_rois[:, :, 1] + 0.5 * ex_h
    gt_w = gt_rois[:, :, 2] - gt_rois[:, :, 0] + 1.0
    gt_h = gt_rois[:, :, 3] - gt_rois[:, :, 1] + 1.0
    gt_cx = gt_rois[:, :, 0] + 0.5 * gt_w
    gt_cy = gt_rois[:, :, 1] + 0.5 * gt_h
    dx = (gt_cx - ex_cx) / ex_w
    dy = (gt_cy - ex_cy) / ex_h
    dw = jnp.log(gt_w / ex_w)
    dh = jnp.log(gt_h / ex_h)
    return jnp.stack([dx, dy, dw, dh], axis=2)


def _sample_indices(max_overlaps_i):
    mo = max_overlaps_i
    M = mo.shape[0]
    fg_mask = mo >= FG_THRESH
    bg_mask = (mo < BG_THRESH_HI) & (mo >= BG_THRESH_LO)
    fgn = jnp.sum(fg_mask).astype(jnp.int32)
    bgn = jnp.sum(bg_mask).astype(jnp.int32)
    idx = jnp.arange(M, dtype=jnp.int32)
    fg_pos = jnp.where(fg_mask, jnp.cumsum(fg_mask) - 1, M)
    bg_pos = jnp.where(bg_mask, jnp.cumsum(bg_mask) - 1, M)
    fg_arr = jnp.zeros(M + 1, jnp.int32).at[fg_pos].set(idx)[:M]
    bg_arr = jnp.zeros(M + 1, jnp.int32).at[bg_pos].set(idx)[:M]
    fg_this = jnp.where(
        fgn > 0,
        jnp.where(bgn > 0, jnp.minimum(FG_ROIS_PER_IMAGE, fgn), ROIS_PER_IMAGE),
        0,
    ).astype(jnp.int32)
    j = jnp.arange(ROIS_PER_IMAGE, dtype=jnp.int32)
    fg_sel = fg_arr[j % jnp.maximum(fgn, 1)]
    bg_sel = bg_arr[(j - fg_this) % jnp.maximum(bgn, 1)]
    keep = jnp.where(j < fg_this, fg_sel, bg_sel).astype(jnp.int32)
    return keep, fg_this


def reference(all_rois, gt_boxes, num_boxes):
    B = all_rois.shape[0]
    G = gt_boxes.shape[1]
    gt_append = jnp.zeros_like(all_rois[:, :G, :]).at[:, :, 1:5].set(gt_boxes[:, :, :4])
    all_cat = jnp.concatenate([all_rois, gt_append], axis=1)
    overlaps = bbox_overlaps_batch(all_cat[:, :, 1:5], gt_boxes[:, :, :4])
    max_overlaps = jnp.max(overlaps, axis=2)
    gt_assignment = jnp.argmax(overlaps, axis=2)
    labels_all = jnp.take_along_axis(gt_boxes[:, :, 4], gt_assignment, axis=1)
    rois_list, labels_list, gt_list = [], [], []
    for i in range(B):
        keep, fg_this = _sample_indices(max_overlaps[i])
        keep_j = jnp.asarray(keep)
        lab = labels_all[i][keep_j]
        lab = jnp.where(jnp.arange(ROIS_PER_IMAGE) < fg_this, lab, 0.0)
        roi = all_cat[i][keep_j]
        roi = roi.at[:, 0].set(float(i))
        gtr = gt_boxes[i][gt_assignment[i][keep_j]]
        rois_list.append(roi)
        labels_list.append(lab)
        gt_list.append(gtr)
    rois_batch = jnp.stack(rois_list)
    labels_batch = jnp.stack(labels_list)
    gt_rois_batch = jnp.stack(gt_list)
    targets = bbox_transform_batch(rois_batch[:, :, 1:5], gt_rois_batch[:, :, :4])
    targets = (targets - BBOX_NORMALIZE_MEANS) / BBOX_NORMALIZE_STDS
    fg_mask = (labels_batch > 0)[:, :, None]
    bbox_targets = jnp.where(fg_mask, targets, 0.0)
    bbox_inside_weights = jnp.where(fg_mask, BBOX_INSIDE_WEIGHTS, 0.0)
    bbox_outside_weights = (bbox_inside_weights > 0).astype(jnp.float32)
    return (rois_batch, labels_batch, bbox_targets, bbox_inside_weights, bbox_outside_weights)

if __name__ == "__main__":
    import jax
    _d = setup_inputs()
    print(jax.jit(kernel)(*tuple(_d.values())))

</pallas_src>

<mosaic_0001>
#map = affine_map<(d0, d1) -> (0, 0)>
#map1 = affine_map<(d0, d1) -> (0, 0, 0)>
module attributes {stable_mosaic.version = 14 : i64} {
  func.func @_gather_body(%arg0: i32, %arg1: i32, %arg2: memref<628x128xf32, #tpu.memory_space<hbm>>, %arg3: memref<628x128xf32, #tpu.memory_space<hbm>>, %arg4: memref<628x128xf32, #tpu.memory_space<hbm>>, %arg5: memref<628x128xf32, #tpu.memory_space<hbm>>, %arg6: memref<628x128xf32, #tpu.memory_space<hbm>>, %arg7: memref<4x256xi32, #tpu.memory_space<hbm>>, %arg8: memref<4x256x128xf32, #tpu.memory_space<hbm>>, %arg9: memref<4x256x128xf32, #tpu.memory_space<hbm>>, %arg10: memref<4x256x128xf32, #tpu.memory_space<hbm>>, %arg11: memref<4x256x128xf32, #tpu.memory_space<hbm>>, %arg12: memref<4x256x128xf32, #tpu.memory_space<hbm>>, %arg13: memref<128xi32, #tpu.memory_space<vmem>>, %arg14: memref<128xi32, #tpu.memory_space<vmem>>, %arg15: memref<128x128xf32, #tpu.memory_space<vmem>>, %arg16: memref<128x128xf32, #tpu.memory_space<vmem>>, %arg17: memref<!tpu.dma_semaphore, #tpu.memory_space<semaphore_mem>>) attributes {dimension_semantics = [#tpu.dimension_semantics<core_parallel>, #tpu.dimension_semantics<subcore_parallel>], iteration_bounds = array<i64: 2, 16>, scalar_prefetch = 0 : i64, scratch_operands = 5 : i64, tpu.core_type = #tpu.core_type<sc_vector_subcore>, window_params = [{transform_indices = #map}, {transform_indices = #map}, {transform_indices = #map}, {transform_indices = #map}, {transform_indices = #map}, {transform_indices = #map}, {transform_indices = #map1}, {transform_indices = #map1}, {transform_indices = #map1}, {transform_indices = #map1}, {transform_indices = #map1}]} {
    %mul3A = arith.constant 2 : i32
    %mul3A_0 = arith.muli %arg1, %mul3A : i32
    %add3A = arith.addi %mul3A_0, %arg0 : i32
    %jit3A = arith.constant 5 : i32
    %div3A = arith.divsi %add3A, %jit3A : i32
    %sign3A = arith.constant 0 : i32
    %sign3A_1 = arith.cmpi sgt, %add3A, %sign3A : i32
    %sign3A_2 = arith.extui %sign3A_1 : i1 to i32
    %sign3A_3 = arith.constant 0 : i32
    %sign3A_4 = arith.cmpi slt, %add3A, %sign3A_3 : i32
    %sign3A_5 = arith.extui %sign3A_4 : i1 to i32
    %sign3A_6 = arith.subi %sign3A_2, %sign3A_5 : i32
    %sign3A_7 = arith.constant 0 : i32
    %sign3A_8 = arith.cmpi sgt, %jit3A, %sign3A_7 : i32
    %sign3A_9 = arith.extui %sign3A_8 : i1 to i32
    %sign3A_10 = arith.constant 0 : i32
    %sign3A_11 = arith.cmpi slt, %jit3A, %sign3A_10 : i32
    %sign3A_12 = arith.extui %sign3A_11 : i1 to i32
    %sign3A_13 = arith.subi %sign3A_9, %sign3A_12 : i32
    %ne3A = arith.cmpi ne, %sign3A_6, %sign3A_13 : i32
    %rem3A = arith.remsi %add3A, %jit3A : i32
    %ne3A_14 = arith.constant 0 : i32
    %ne3A_15 = arith.cmpi ne, %rem3A, %ne3A_14 : i32
    %and3A = arith.andi %ne3A, %ne3A_15 : i1
    %sub3A = arith.constant 1 : i32
    %sub3A_16 = arith.subi %div3A, %sub3A : i32
    %select_n3A = arith.select %and3A, %sub3A_16, %div3A : i32
    %mul3A_17 = arith.constant 5 : i32
    %mul3A_18 = arith.muli %select_n3A, %mul3A_17 : i32
    %sub3A_19 = arith.subi %add3A, %mul3A_18 : i32
    %lt3A = arith.constant 20 : i32
    %lt3A_20 = arith.cmpi slt, %add3A, %lt3A : i32
    %convert_element_type3A = arith.extui %lt3A_20 : i1 to i32
    %cond3A = arith.constant 0 : i32
    %cond3A_21 = arith.cmpi ne, %convert_element_type3A, %cond3A : i32
    scf.if %cond3A_21 {
      "tpu.region"() ({
        %run_scoped3A = tpu.sem_alloc : memref<!tpu.dma_semaphore, #tpu.memory_space<semaphore_mem>>
        %dma_start3A = arith.constant 0 : i32
        %dma_start3A_46 = tpu.memref_slice %arg7[%select_n3A, %dma_start3A] : memref<4x256xi32, #tpu.memory_space<hbm>> -> memref<1x128xi32, #tpu.memory_space<hbm>>
        %dma_start3A_47 = tpu.memref_squeeze %dma_start3A_46 : memref<1x128xi32, #tpu.memory_space<hbm>> -> memref<128xi32, #tpu.memory_space<hbm>>
        %dma_start3A_48 = arith.constant 0 : i32
        %dma_start3A_49 = tpu.memref_slice %arg7[%select_n3A, %dma_start3A_48] : memref<4x256xi32, #tpu.memory_space<hbm>> -> memref<1x128xi32, #tpu.memory_space<hbm>>
        %dma_start3A_50 = tpu.memref_squeeze %dma_start3A_49 : memref<1x128xi32, #tpu.memory_space<hbm>> -> memref<128xi32, #tpu.memory_space<hbm>>
        tpu.enqueue_dma source(%dma_start3A_50 : memref<128xi32, #tpu.memory_space<hbm>>) target(%arg13 : memref<128xi32, #tpu.memory_space<vmem>>) target_semaphore(%run_scoped3A : memref<!tpu.dma_semaphore, #tpu.memory_space<semaphore_mem>>)
        %dma_wait3A = arith.constant 0 : i32
        %dma_wait3A_51 = tpu.memref_slice %arg7[%select_n3A, %dma_wait3A] : memref<4x256xi32, #tpu.memory_space<hbm>> -> memref<1x128xi32, #tpu.memory_space<hbm>>
        %dma_wait3A_52 = tpu.memref_squeeze %dma_wait3A_51 : memref<1x128xi32, #tpu.memory_space<hbm>> -> memref<128xi32, #tpu.memory_space<hbm>>
        %dma_wait3A_53 = arith.constant 0 : i32
        %dma_wait3A_54 = tpu.memref_slice %arg7[%select_n3A, %dma_wait3A_53] : memref<4x256xi32, #tpu.memory_space<hbm>> -> memref<1x128xi32, #tpu.memory_space<hbm>>
        %dma_wait3A_55 = tpu.memref_squeeze %dma_wait3A_54 : memref<1x128xi32, #tpu.memory_space<hbm>> -> memref<128xi32, #tpu.memory_space<hbm>>
        tpu.wait_dma2 semaphore(%run_scoped3A : memref<!tpu.dma_semaphore, #tpu.memory_space<semaphore_mem>>) src(%dma_wait3A_55 : memref<128xi32, #tpu.memory_space<hbm>>) dst(%arg13 : memref<128xi32, #tpu.memory_space<vmem>>)
        tpu.yield
      }) : () -> ()
      "tpu.region"() ({
        %run_scoped3A = tpu.sem_alloc : memref<!tpu.dma_semaphore, #tpu.memory_space<semaphore_mem>>
        %dma_start3A = arith.constant 128 : i32
        %dma_start3A_46 = tpu.memref_slice %arg7[%select_n3A, %dma_start3A] : memref<4x256xi32, #tpu.memory_space<hbm>> -> memref<1x128xi32, #tpu.memory_space<hbm>>
        %dma_start3A_47 = tpu.memref_squeeze %dma_start3A_46 : memref<1x128xi32, #tpu.memory_space<hbm>> -> memref<128xi32, #tpu.memory_space<hbm>>
        %dma_start3A_48 = arith.constant 128 : i32
        %dma_start3A_49 = tpu.memref_slice %arg7[%select_n3A, %dma_start3A_48] : memref<4x256xi32, #tpu.memory_space<hbm>> -> memref<1x128xi32, #tpu.memory_space<hbm>>
        %dma_start3A_50 = tpu.memref_squeeze %dma_start3A_49 : memref<1x128xi32, #tpu.memory_space<hbm>> -> memref<128xi32, #tpu.memory_space<hbm>>
        tpu.enqueue_dma source(%dma_start3A_50 : memref<128xi32, #tpu.memory_space<hbm>>) target(%arg14 : memref<128xi32, #tpu.memory_space<vmem>>) target_semaphore(%run_scoped3A : memref<!tpu.dma_semaphore, #tpu.memory_space<semaphore_mem>>)
        %dma_wait3A = arith.constant 128 : i32
        %dma_wait3A_51 = tpu.memref_slice %arg7[%select_n3A, %dma_wait3A] : memref<4x256xi32, #tpu.memory_space<hbm>> -> memref<1x128xi32, #tpu.memory_space<hbm>>
        %dma_wait3A_52 = tpu.memref_squeeze %dma_wait3A_51 : memref<1x128xi32, #tpu.memory_space<hbm>> -> memref<128xi32, #tpu.memory_space<hbm>>
        %dma_wait3A_53 = arith.constant 128 : i32
        %dma_wait3A_54 = tpu.memref_slice %arg7[%select_n3A, %dma_wait3A_53] : memref<4x256xi32, #tpu.memory_space<hbm>> -> memref<1x128xi32, #tpu.memory_space<hbm>>
        %dma_wait3A_55 = tpu.memref_squeeze %dma_wait3A_54 : memref<1x128xi32, #tpu.memory_space<hbm>> -> memref<128xi32, #tpu.memory_space<hbm>>
        tpu.wait_dma2 semaphore(%run_scoped3A : memref<!tpu.dma_semaphore, #tpu.memory_space<semaphore_mem>>) src(%dma_wait3A_55 : memref<128xi32, #tpu.memory_space<hbm>>) dst(%arg14 : memref<128xi32, #tpu.memory_space<vmem>>)
        tpu.yield
      }) : () -> ()
      %eq3A = arith.constant 0 : i32
      %eq3A_22 = arith.cmpi eq, %sub3A_19, %eq3A : i32
      %convert_element_type3A_23 = arith.extui %eq3A_22 : i1 to i32
      %cond3A_24 = arith.constant 0 : i32
      %cond3A_25 = arith.cmpi ne, %convert_element_type3A_23, %cond3A_24 : i32
      scf.if %cond3A_25 {
        %dma_start3A = arith.constant 0 : i32
        %dma_start3A_46 = arith.constant 0 : i32
        %dma_start3A_47 = tpu.memref_slice %arg2[%dma_start3A, %dma_start3A_46] : memref<628x128xf32, #tpu.memory_space<hbm>> -> memref<628x128xf32, #tpu.memory_space<hbm>>
        tpu.enqueue_indirect_dma source(%dma_start3A_47 : memref<628x128xf32, #tpu.memory_space<hbm>>) target(%arg15 : memref<128x128xf32, #tpu.memory_space<vmem>>) offsets(%arg13 : memref<128xi32, #tpu.memory_space<vmem>>) semaphore(%arg17 : memref<!tpu.dma_semaphore, #tpu.memory_space<semaphore_mem>>)
        %dma_start3A_48 = arith.constant 0 : i32
        %dma_start3A_49 = arith.constant 0 : i32
        %dma_start3A_50 = tpu.memref_slice %arg2[%dma_start3A_48, %dma_start3A_49] : memref<628x128xf32, #tpu.memory_space<hbm>> -> memref<628x128xf32, #tpu.memory_space<hbm>>
        tpu.enqueue_indirect_dma source(%dma_start3A_50 : memref<628x128xf32, #tpu.memory_space<hbm>>) target(%arg16 : memref<128x128xf32, #tpu.memory_space<vmem>>) offsets(%arg14 : memref<128xi32, #tpu.memory_space<vmem>>) semaphore(%arg17 : memref<!tpu.dma_semaphore, #tpu.memory_space<semaphore_mem>>)
        %dma_wait3A = arith.constant 0 : i32
        %dma_wait3A_51 = arith.constant 0 : i32
        %dma_wait3A_52 = tpu.memref_slice %arg2[%dma_wait3A, %dma_wait3A_51] : memref<628x128xf32, #tpu.memory_space<hbm>> -> memref<628x128xf32, #tpu.memory_space<hbm>>
        tpu.wait_indirect_dma semaphore(%arg17 : memref<!tpu.dma_semaphore, #tpu.memory_space<semaphore_mem>>) src(%dma_wait3A_52 : memref<628x128xf32, #tpu.memory_space<hbm>>) dst(%arg15 : memref<128x128xf32, #tpu.memory_space<vmem>>)
        %dma_wait3A_53 = arith.constant 0 : i32
        %dma_wait3A_54 = arith.constant 0 : i32
        %dma_wait3A_55 = tpu.memref_slice %arg2[%dma_wait3A_53, %dma_wait3A_54] : memref<628x128xf32, #tpu.memory_space<hbm>> -> memref<628x128xf32, #tpu.memory_space<hbm>>
        tpu.wait_indirect_dma semaphore(%arg17 : memref<!tpu.dma_semaphore, #tpu.memory_space<semaphore_mem>>) src(%dma_wait3A_55 : memref<628x128xf32, #tpu.memory_space<hbm>>) dst(%arg16 : memref<128x128xf32, #tpu.memory_space<vmem>>)
        "tpu.region"() ({
          %run_scoped3A = tpu.sem_alloc : memref<!tpu.dma_semaphore, #tpu.memory_space<semaphore_mem>>
          %dma_start3A_56 = arith.constant 0 : i32
          %dma_start3A_57 = arith.constant 0 : i32
          %dma_start3A_58 = tpu.memref_slice %arg8[%select_n3A, %dma_start3A_56, %dma_start3A_57] : memref<4x256x128xf32, #tpu.memory_space<hbm>> -> memref<1x128x128xf32, #tpu.memory_space<hbm>>
          %dma_start3A_59 = tpu.memref_squeeze %dma_start3A_58 : memref<1x128x128xf32, #tpu.memory_space<hbm>> -> memref<128x128xf32, #tpu.memory_space<hbm>>
          %dma_start3A_60 = arith.constant 0 : i32
          %dma_start3A_61 = arith.constant 0 : i32
          %dma_start3A_62 = tpu.memref_slice %arg8[%select_n3A, %dma_start3A_60, %dma_start3A_61] : memref<4x256x128xf32, #tpu.memory_space<hbm>> -> memref<1x128x128xf32, #tpu.memory_space<hbm>>
          %dma_start3A_63 = tpu.memref_squeeze %dma_start3A_62 : memref<1x128x128xf32, #tpu.memory_space<hbm>> -> memref<128x128xf32, #tpu.memory_space<hbm>>
          tpu.enqueue_dma source(%arg15 : memref<128x128xf32, #tpu.memory_space<vmem>>) target(%dma_start3A_63 : memref<128x128xf32, #tpu.memory_space<hbm>>) target_semaphore(%run_scoped3A : memref<!tpu.dma_semaphore, #tpu.memory_space<semaphore_mem>>)
          %dma_wait3A_64 = arith.constant 0 : i32
          %dma_wait3A_65 = arith.constant 0 : i32
          %dma_wait3A_66 = tpu.memref_slice %arg8[%select_n3A, %dma_wait3A_64, %dma_wait3A_65] : memref<4x256x128xf32, #tpu.memory_space<hbm>> -> memref<1x128x128xf32, #tpu.memory_space<hbm>>
          %dma_wait3A_67 = tpu.memref_squeeze %dma_wait3A_66 : memref<1x128x128xf32, #tpu.memory_space<hbm>> -> memref<128x128xf32, #tpu.memory_space<hbm>>
          %dma_wait3A_68 = arith.constant 0 : i32
          %dma_wait3A_69 = arith.constant 0 : i32
          %dma_wait3A_70 = tpu.memref_slice %arg8[%select_n3A, %dma_wait3A_68, %dma_wait3A_69] : memref<4x256x128xf32, #tpu.memory_space<hbm>> -> memref<1x128x128xf32, #tpu.memory_space<hbm>>
          %dma_wait3A_71 = tpu.memref_squeeze %dma_wait3A_70 : memref<1x128x128xf32, #tpu.memory_space<hbm>> -> memref<128x128xf32, #tpu.memory_space<hbm>>
          tpu.wait_dma2 semaphore(%run_scoped3A : memref<!tpu.dma_semaphore, #tpu.memory_space<semaphore_mem>>) src(%arg15 : memref<128x128xf32, #tpu.memory_space<vmem>>) dst(%dma_wait3A_71 : memref<128x128xf32, #tpu.memory_space<hbm>>)
          tpu.yield
        }) : () -> ()
        "tpu.region"() ({
          %run_scoped3A = tpu.sem_alloc : memref<!tpu.dma_semaphore, #tpu.memory_space<semaphore_mem>>
          %dma_start3A_56 = arith.constant 128 : i32
          %dma_start3A_57 = arith.constant 0 : i32
          %dma_start3A_58 = tpu.memref_slice %arg8[%select_n3A, %dma_start3A_56, %dma_start3A_57] : memref<4x256x128xf32, #tpu.memory_space<hbm>> -> memref<1x128x128xf32, #tpu.memory_space<hbm>>
          %dma_start3A_59 = tpu.memref_squeeze %dma_start3A_58 : memref<1x128x128xf32, #tpu.memory_space<hbm>> -> memref<128x128xf32, #tpu.memory_space<hbm>>
          %dma_start3A_60 = arith.constant 128 : i32
          %dma_start3A_61 = arith.constant 0 : i32
          %dma_start3A_62 = tpu.memref_slice %arg8[%select_n3A, %dma_start3A_60, %dma_start3A_61] : memref<4x256x128xf32, #tpu.memory_space<hbm>> -> memref<1x128x128xf32, #tpu.memory_space<hbm>>
          %dma_start3A_63 = tpu.memref_squeeze %dma_start3A_62 : memref<1x128x128xf32, #tpu.memory_space<hbm>> -> memref<128x128xf32, #tpu.memory_space<hbm>>
          tpu.enqueue_dma source(%arg16 : memref<128x128xf32, #tpu.memory_space<vmem>>) target(%dma_start3A_63 : memref<128x128xf32, #tpu.memory_space<hbm>>) target_semaphore(%run_scoped3A : memref<!tpu.dma_semaphore, #tpu.memory_space<semaphore_mem>>)
          %dma_wait3A_64 = arith.constant 128 : i32
          %dma_wait3A_65 = arith.constant 0 : i32
          %dma_wait3A_66 = tpu.memref_slice %arg8[%select_n3A, %dma_wait3A_64, %dma_wait3A_65] : memref<4x256x128xf32, #tpu.memory_space<hbm>> -> memref<1x128x128xf32, #tpu.memory_space<hbm>>
          %dma_wait3A_67 = tpu.memref_squeeze %dma_wait3A_66 : memref<1x128x128xf32, #tpu.memory_space<hbm>> -> memref<128x128xf32, #tpu.memory_space<hbm>>
          %dma_wait3A_68 = arith.constant 128 : i32
          %dma_wait3A_69 = arith.constant 0 : i32
          %dma_wait3A_70 = tpu.memref_slice %arg8[%select_n3A, %dma_wait3A_68, %dma_wait3A_69] : memref<4x256x128xf32, #tpu.memory_space<hbm>> -> memref<1x128x128xf32, #tpu.memory_space<hbm>>
          %dma_wait3A_71 = tpu.memref_squeeze %dma_wait3A_70 : memref<1x128x128xf32, #tpu.memory_space<hbm>> -> memref<128x128xf32, #tpu.memory_space<hbm>>
          tpu.wait_dma2 semaphore(%run_scoped3A : memref<!tpu.dma_semaphore, #tpu.memory_space<semaphore_mem>>) src(%arg16 : memref<128x128xf32, #tpu.memory_space<vmem>>) dst(%dma_wait3A_71 : memref<128x128xf32, #tpu.memory_space<hbm>>)
          tpu.yield
        }) : () -> ()
      } else {
      }
      %eq3A_26 = arith.constant 1 : i32
      %eq3A_27 = arith.cmpi eq, %sub3A_19, %eq3A_26 : i32
      %convert_element_type3A_28 = arith.extui %eq3A_27 : i1 to i32
      %cond3A_29 = arith.constant 0 : i32
      %cond3A_30 = arith.cmpi ne, %convert_element_type3A_28, %cond3A_29 : i32
      scf.if %cond3A_30 {
        %dma_start3A = arith.constant 0 : i32
        %dma_start3A_46 = arith.constant 0 : i32
        %dma_start3A_47 = tpu.memref_slice %arg3[%dma_start3A, %dma_start3A_46] : memref<628x128xf32, #tpu.memory_space<hbm>> -> memref<628x128xf32, #tpu.memory_space<hbm>>
        tpu.enqueue_indirect_dma source(%dma_start3A_47 : memref<628x128xf32, #tpu.memory_space<hbm>>) target(%arg15 : memref<128x128xf32, #tpu.memory_space<vmem>>) offsets(%arg13 : memref<128xi32, #tpu.memory_space<vmem>>) semaphore(%arg17 : memref<!tpu.dma_semaphore, #tpu.memory_space<semaphore_mem>>)
        %dma_start3A_48 = arith.constant 0 : i32
        %dma_start3A_49 = arith.constant 0 : i32
        %dma_start3A_50 = tpu.memref_slice %arg3[%dma_start3A_48, %dma_start3A_49] : memref<628x128xf32, #tpu.memory_space<hbm>> -> memref<628x128xf32, #tpu.memory_space<hbm>>
        tpu.enqueue_indirect_dma source(%dma_start3A_50 : memref<628x128xf32, #tpu.memory_space<hbm>>) target(%arg16 : memref<128x128xf32, #tpu.memory_space<vmem>>) offsets(%arg14 : memref<128xi32, #tpu.memory_space<vmem>>) semaphore(%arg17 : memref<!tpu.dma_semaphore, #tpu.memory_space<semaphore_mem>>)
        %dma_wait3A = arith.constant 0 : i32
        %dma_wait3A_51 = arith.constant 0 : i32
        %dma_wait3A_52 = tpu.memref_slice %arg3[%dma_wait3A, %dma_wait3A_51] : memref<628x128xf32, #tpu.memory_space<hbm>> -> memref<628x128xf32, #tpu.memory_space<hbm>>
        tpu.wait_indirect_dma semaphore(%arg17 : memref<!tpu.dma_semaphore, #tpu.memory_space<semaphore_mem>>) src(%dma_wait3A_52 : memref<628x128xf32, #tpu.memory_space<hbm>>) dst(%arg15 : memref<128x128xf32, #tpu.memory_space<vmem>>)
        %dma_wait3A_53 = arith.constant 0 : i32
        %dma_wait3A_54 = arith.constant 0 : i32
        %dma_wait3A_55 = tpu.memref_slice %arg3[%dma_wait3A_53, %dma_wait3A_54] : memref<628x128xf32, #tpu.memory_space<hbm>> -> memref<628x128xf32, #tpu.memory_space<hbm>>
        tpu.wait_indirect_dma semaphore(%arg17 : memref<!tpu.dma_semaphore, #tpu.memory_space<semaphore_mem>>) src(%dma_wait3A_55 : memref<628x128xf32, #tpu.memory_space<hbm>>) dst(%arg16 : memref<128x128xf32, #tpu.memory_space<vmem>>)
        "tpu.region"() ({
          %run_scoped3A = tpu.sem_alloc : memref<!tpu.dma_semaphore, #tpu.memory_space<semaphore_mem>>
          %dma_start3A_56 = arith.constant 0 : i32
          %dma_start3A_57 = arith.constant 0 : i32
          %dma_start3A_58 = tpu.memref_slice %arg9[%select_n3A, %dma_start3A_56, %dma_start3A_57] : memref<4x256x128xf32, #tpu.memory_space<hbm>> -> memref<1x128x128xf32, #tpu.memory_space<hbm>>
          %dma_start3A_59 = tpu.memref_squeeze %dma_start3A_58 : memref<1x128x128xf32, #tpu.memory_space<hbm>> -> memref<128x128xf32, #tpu.memory_space<hbm>>
          %dma_start3A_60 = arith.constant 0 : i32
          %dma_start3A_61 = arith.constant 0 : i32
          %dma_start3A_62 = tpu.memref_slice %arg9[%select_n3A, %dma_start3A_60, %dma_start3A_61] : memref<4x256x128xf32, #tpu.memory_space<hbm>> -> memref<1x128x128xf32, #tpu.memory_space<hbm>>
          %dma_start3A_63 = tpu.memref_squeeze %dma_start3A_62 : memref<1x128x128xf32, #tpu.memory_space<hbm>> -> memref<128x128xf32, #tpu.memory_space<hbm>>
          tpu.enqueue_dma source(%arg15 : memref<128x128xf32, #tpu.memory_space<vmem>>) target(%dma_start3A_63 : memref<128x128xf32, #tpu.memory_space<hbm>>) target_semaphore(%run_scoped3A : memref<!tpu.dma_semaphore, #tpu.memory_space<semaphore_mem>>)
          %dma_wait3A_64 = arith.constant 0 : i32
          %dma_wait3A_65 = arith.constant 0 : i32
          %dma_wait3A_66 = tpu.memref_slice %arg9[%select_n3A, %dma_wait3A_64, %dma_wait3A_65] : memref<4x256x128xf32, #tpu.memory_space<hbm>> -> memref<1x128x128xf32, #tpu.memory_space<hbm>>
          %dma_wait3A_67 = tpu.memref_squeeze %dma_wait3A_66 : memref<1x128x128xf32, #tpu.memory_space<hbm>> -> memref<128x128xf32, #tpu.memory_space<hbm>>
          %dma_wait3A_68 = arith.constant 0 : i32
          %dma_wait3A_69 = arith.constant 0 : i32
          %dma_wait3A_70 = tpu.memref_slice %arg9[%select_n3A, %dma_wait3A_68, %dma_wait3A_69] : memref<4x256x128xf32, #tpu.memory_space<hbm>> -> memref<1x128x128xf32, #tpu.memory_space<hbm>>
          %dma_wait3A_71 = tpu.memref_squeeze %dma_wait3A_70 : memref<1x128x128xf32, #tpu.memory_space<hbm>> -> memref<128x128xf32, #tpu.memory_space<hbm>>
          tpu.wait_dma2 semaphore(%run_scoped3A : memref<!tpu.dma_semaphore, #tpu.memory_space<semaphore_mem>>) src(%arg15 : memref<128x128xf32, #tpu.memory_space<vmem>>) dst(%dma_wait3A_71 : memref<128x128xf32, #tpu.memory_space<hbm>>)
          tpu.yield
        }) : () -> ()
        "tpu.region"() ({
          %run_scoped3A = tpu.sem_alloc : memref<!tpu.dma_semaphore, #tpu.memory_space<semaphore_mem>>
          %dma_start3A_56 = arith.constant 128 : i32
          %dma_start3A_57 = arith.constant 0 : i32
          %dma_start3A_58 = tpu.memref_slice %arg9[%select_n3A, %dma_start3A_56, %dma_start3A_57] : memref<4x256x128xf32, #tpu.memory_space<hbm>> -> memref<1x128x128xf32, #tpu.memory_space<hbm>>
          %dma_start3A_59 = tpu.memref_squeeze %dma_start3A_58 : memref<1x128x128xf32, #tpu.memory_space<hbm>> -> memref<128x128xf32, #tpu.memory_space<hbm>>
          %dma_start3A_60 = arith.constant 128 : i32
          %dma_start3A_61 = arith.constant 0 : i32
          %dma_start3A_62 = tpu.memref_slice %arg9[%select_n3A, %dma_start3A_60, %dma_start3A_61] : memref<4x256x128xf32, #tpu.memory_space<hbm>> -> memref<1x128x128xf32, #tpu.memory_space<hbm>>
          %dma_start3A_63 = tpu.memref_squeeze %dma_start3A_62 : memref<1x128x128xf32, #tpu.memory_space<hbm>> -> memref<128x128xf32, #tpu.memory_space<hbm>>
          tpu.enqueue_dma source(%arg16 : memref<128x128xf32, #tpu.memory_space<vmem>>) target(%dma_start3A_63 : memref<128x128xf32, #tpu.memory_space<hbm>>) target_semaphore(%run_scoped3A : memref<!tpu.dma_semaphore, #tpu.memory_space<semaphore_mem>>)
          %dma_wait3A_64 = arith.constant 128 : i32
          %dma_wait3A_65 = arith.constant 0 : i32
          %dma_wait3A_66 = tpu.memref_slice %arg9[%select_n3A, %dma_wait3A_64, %dma_wait3A_65] : memref<4x256x128xf32, #tpu.memory_space<hbm>> -> memref<1x128x128xf32, #tpu.memory_space<hbm>>
          %dma_wait3A_67 = tpu.memref_squeeze %dma_wait3A_66 : memref<1x128x128xf32, #tpu.memory_space<hbm>> -> memref<128x128xf32, #tpu.memory_space<hbm>>
          %dma_wait3A_68 = arith.constant 128 : i32
          %dma_wait3A_69 = arith.constant 0 : i32
          %dma_wait3A_70 = tpu.memref_slice %arg9[%select_n3A, %dma_wait3A_68, %dma_wait3A_69] : memref<4x256x128xf32, #tpu.memory_space<hbm>> -> memref<1x128x128xf32, #tpu.memory_space<hbm>>
          %dma_wait3A_71 = tpu.memref_squeeze %dma_wait3A_70 : memref<1x128x128xf32, #tpu.memory_space<hbm>> -> memref<128x128xf32, #tpu.memory_space<hbm>>
          tpu.wait_dma2 semaphore(%run_scoped3A : memref<!tpu.dma_semaphore, #tpu.memory_space<semaphore_mem>>) src(%arg16 : memref<128x128xf32, #tpu.memory_space<vmem>>) dst(%dma_wait3A_71 : memref<128x128xf32, #tpu.memory_space<hbm>>)
          tpu.yield
        }) : () -> ()
      } else {
      }
      %eq3A_31 = arith.constant 2 : i32
      %eq3A_32 = arith.cmpi eq, %sub3A_19, %eq3A_31 : i32
      %convert_element_type3A_33 = arith.extui %eq3A_32 : i1 to i32
      %cond3A_34 = arith.constant 0 : i32
      %cond3A_35 = arith.cmpi ne, %convert_element_type3A_33, %cond3A_34 : i32
      scf.if %cond3A_35 {
        %dma_start3A = arith.constant 0 : i32
        %dma_start3A_46 = arith.constant 0 : i32
        %dma_start3A_47 = tpu.memref_slice %arg4[%dma_start3A, %dma_start3A_46] : memref<628x128xf32, #tpu.memory_space<hbm>> -> memref<628x128xf32, #tpu.memory_space<hbm>>
        tpu.enqueue_indirect_dma source(%dma_start3A_47 : memref<628x128xf32, #tpu.memory_space<hbm>>) target(%arg15 : memref<128x128xf32, #tpu.memory_space<vmem>>) offsets(%arg13 : memref<128xi32, #tpu.memory_space<vmem>>) semaphore(%arg17 : memref<!tpu.dma_semaphore, #tpu.memory_space<semaphore_mem>>)
        %dma_start3A_48 = arith.constant 0 : i32
        %dma_start3A_49 = arith.constant 0 : i32
        %dma_start3A_50 = tpu.memref_slice %arg4[%dma_start3A_48, %dma_start3A_49] : memref<628x128xf32, #tpu.memory_space<hbm>> -> memref<628x128xf32, #tpu.memory_space<hbm>>
        tpu.enqueue_indirect_dma source(%dma_start3A_50 : memref<628x128xf32, #tpu.memory_space<hbm>>) target(%arg16 : memref<128x128xf32, #tpu.memory_space<vmem>>) offsets(%arg14 : memref<128xi32, #tpu.memory_space<vmem>>) semaphore(%arg17 : memref<!tpu.dma_semaphore, #tpu.memory_space<semaphore_mem>>)
        %dma_wait3A = arith.constant 0 : i32
        %dma_wait3A_51 = arith.constant 0 : i32
        %dma_wait3A_52 = tpu.memref_slice %arg4[%dma_wait3A, %dma_wait3A_51] : memref<628x128xf32, #tpu.memory_space<hbm>> -> memref<628x128xf32, #tpu.memory_space<hbm>>
        tpu.wait_indirect_dma semaphore(%arg17 : memref<!tpu.dma_semaphore, #tpu.memory_space<semaphore_mem>>) src(%dma_wait3A_52 : memref<628x128xf32, #tpu.memory_space<hbm>>) dst(%arg15 : memref<128x128xf32, #tpu.memory_space<vmem>>)
        %dma_wait3A_53 = arith.constant 0 : i32
        %dma_wait3A_54 = arith.constant 0 : i32
        %dma_wait3A_55 = tpu.memref_slice %arg4[%dma_wait3A_53, %dma_wait3A_54] : memref<628x128xf32, #tpu.memory_space<hbm>> -> memref<628x128xf32, #tpu.memory_space<hbm>>
        tpu.wait_indirect_dma semaphore(%arg17 : memref<!tpu.dma_semaphore, #tpu.memory_space<semaphore_mem>>) src(%dma_wait3A_55 : memref<628x128xf32, #tpu.memory_space<hbm>>) dst(%arg16 : memref<128x128xf32, #tpu.memory_space<vmem>>)
        "tpu.region"() ({
          %run_scoped3A = tpu.sem_alloc : memref<!tpu.dma_semaphore, #tpu.memory_space<semaphore_mem>>
          %dma_start3A_56 = arith.constant 0 : i32
          %dma_start3A_57 = arith.constant 0 : i32
          %dma_start3A_58 = tpu.memref_slice %arg10[%select_n3A, %dma_start3A_56, %dma_start3A_57] : memref<4x256x128xf32, #tpu.memory_space<hbm>> -> memref<1x128x128xf32, #tpu.memory_space<hbm>>
          %dma_start3A_59 = tpu.memref_squeeze %dma_start3A_58 : memref<1x128x128xf32, #tpu.memory_space<hbm>> -> memref<128x128xf32, #tpu.memory_space<hbm>>
          %dma_start3A_60 = arith.constant 0 : i32
          %dma_start3A_61 = arith.constant 0 : i32
          %dma_start3A_62 = tpu.memref_slice %arg10[%select_n3A, %dma_start3A_60, %dma_start3A_61] : memref<4x256x128xf32, #tpu.memory_space<hbm>> -> memref<1x128x128xf32, #tpu.memory_space<hbm>>
          %dma_start3A_63 = tpu.memref_squeeze %dma_start3A_62 : memref<1x128x128xf32, #tpu.memory_space<hbm>> -> memref<128x128xf32, #tpu.memory_space<hbm>>
          tpu.enqueue_dma source(%arg15 : memref<128x128xf32, #tpu.memory_space<vmem>>) target(%dma_start3A_63 : memref<128x128xf32, #tpu.memory_space<hbm>>) target_semaphore(%run_scoped3A : memref<!tpu.dma_semaphore, #tpu.memory_space<semaphore_mem>>)
          %dma_wait3A_64 = arith.constant 0 : i32
          %dma_wait3A_65 = arith.constant 0 : i32
          %dma_wait3A_66 = tpu.memref_slice %arg10[%select_n3A, %dma_wait3A_64, %dma_wait3A_65] : memref<4x256x128xf32, #tpu.memory_space<hbm>> -> memref<1x128x128xf32, #tpu.memory_space<hbm>>
          %dma_wait3A_67 = tpu.memref_squeeze %dma_wait3A_66 : memref<1x128x128xf32, #tpu.memory_space<hbm>> -> memref<128x128xf32, #tpu.memory_space<hbm>>
          %dma_wait3A_68 = arith.constant 0 : i32
          %dma_wait3A_69 = arith.constant 0 : i32
          %dma_wait3A_70 = tpu.memref_slice %arg10[%select_n3A, %dma_wait3A_68, %dma_wait3A_69] : memref<4x256x128xf32, #tpu.memory_space<hbm>> -> memref<1x128x128xf32, #tpu.memory_space<hbm>>
          %dma_wait3A_71 = tpu.memref_squeeze %dma_wait3A_70 : memref<1x128x128xf32, #tpu.memory_space<hbm>> -> memref<128x128xf32, #tpu.memory_space<hbm>>
          tpu.wait_dma2 semaphore(%run_scoped3A : memref<!tpu.dma_semaphore, #tpu.memory_space<semaphore_mem>>) src(%arg15 : memref<128x128xf32, #tpu.memory_space<vmem>>) dst(%dma_wait3A_71 : memref<128x128xf32, #tpu.memory_space<hbm>>)
          tpu.yield
        }) : () -> ()
        "tpu.region"() ({
          %run_scoped3A = tpu.sem_alloc : memref<!tpu.dma_semaphore, #tpu.memory_space<semaphore_mem>>
          %dma_start3A_56 = arith.constant 128 : i32
          %dma_start3A_57 = arith.constant 0 : i32
          %dma_start3A_58 = tpu.memref_slice %arg10[%select_n3A, %dma_start3A_56, %dma_start3A_57] : memref<4x256x128xf32, #tpu.memory_space<hbm>> -> memref<1x128x128xf32, #tpu.memory_space<hbm>>
          %dma_start3A_59 = tpu.memref_squeeze %dma_start3A_58 : memref<1x128x128xf32, #tpu.memory_space<hbm>> -> memref<128x128xf32, #tpu.memory_space<hbm>>
          %dma_start3A_60 = arith.constant 128 : i32
          %dma_start3A_61 = arith.constant 0 : i32
          %dma_start3A_62 = tpu.memref_slice %arg10[%select_n3A, %dma_start3A_60, %dma_start3A_61] : memref<4x256x128xf32, #tpu.memory_space<hbm>> -> memref<1x128x128xf32, #tpu.memory_space<hbm>>
          %dma_start3A_63 = tpu.memref_squeeze %dma_start3A_62 : memref<1x128x128xf32, #tpu.memory_space<hbm>> -> memref<128x128xf32, #tpu.memory_space<hbm>>
          tpu.enqueue_dma source(%arg16 : memref<128x128xf32, #tpu.memory_space<vmem>>) target(%dma_start3A_63 : memref<128x128xf32, #tpu.memory_space<hbm>>) target_semaphore(%run_scoped3A : memref<!tpu.dma_semaphore, #tpu.memory_space<semaphore_mem>>)
          %dma_wait3A_64 = arith.constant 128 : i32
          %dma_wait3A_65 = arith.constant 0 : i32
          %dma_wait3A_66 = tpu.memref_slice %arg10[%select_n3A, %dma_wait3A_64, %dma_wait3A_65] : memref<4x256x128xf32, #tpu.memory_space<hbm>> -> memref<1x128x128xf32, #tpu.memory_space<hbm>>
          %dma_wait3A_67 = tpu.memref_squeeze %dma_wait3A_66 : memref<1x128x128xf32, #tpu.memory_space<hbm>> -> memref<128x128xf32, #tpu.memory_space<hbm>>
          %dma_wait3A_68 = arith.constant 128 : i32
          %dma_wait3A_69 = arith.constant 0 : i32
          %dma_wait3A_70 = tpu.memref_slice %arg10[%select_n3A, %dma_wait3A_68, %dma_wait3A_69] : memref<4x256x128xf32, #tpu.memory_space<hbm>> -> memref<1x128x128xf32, #tpu.memory_space<hbm>>
          %dma_wait3A_71 = tpu.memref_squeeze %dma_wait3A_70 : memref<1x128x128xf32, #tpu.memory_space<hbm>> -> memref<128x128xf32, #tpu.memory_space<hbm>>
          tpu.wait_dma2 semaphore(%run_scoped3A : memref<!tpu.dma_semaphore, #tpu.memory_space<semaphore_mem>>) src(%arg16 : memref<128x128xf32, #tpu.memory_space<vmem>>) dst(%dma_wait3A_71 : memref<128x128xf32, #tpu.memory_space<hbm>>)
          tpu.yield
        }) : () -> ()
      } else {
      }
      %eq3A_36 = arith.constant 3 : i32
      %eq3A_37 = arith.cmpi eq, %sub3A_19, %eq3A_36 : i32
      %convert_element_type3A_38 = arith.extui %eq3A_37 : i1 to i32
      %cond3A_39 = arith.constant 0 : i32
      %cond3A_40 = arith.cmpi ne, %convert_element_type3A_38, %cond3A_39 : i32
      scf.if %cond3A_40 {
        %dma_start3A = arith.constant 0 : i32
        %dma_start3A_46 = arith.constant 0 : i32
        %dma_start3A_47 = tpu.memref_slice %arg5[%dma_start3A, %dma_start3A_46] : memref<628x128xf32, #tpu.memory_space<hbm>> -> memref<628x128xf32, #tpu.memory_space<hbm>>
        tpu.enqueue_indirect_dma source(%dma_start3A_47 : memref<628x128xf32, #tpu.memory_space<hbm>>) target(%arg15 : memref<128x128xf32, #tpu.memory_space<vmem>>) offsets(%arg13 : memref<128xi32, #tpu.memory_space<vmem>>) semaphore(%arg17 : memref<!tpu.dma_semaphore, #tpu.memory_space<semaphore_mem>>)
        %dma_start3A_48 = arith.constant 0 : i32
        %dma_start3A_49 = arith.constant 0 : i32
        %dma_start3A_50 = tpu.memref_slice %arg5[%dma_start3A_48, %dma_start3A_49] : memref<628x128xf32, #tpu.memory_space<hbm>> -> memref<628x128xf32, #tpu.memory_space<hbm>>
        tpu.enqueue_indirect_dma source(%dma_start3A_50 : memref<628x128xf32, #tpu.memory_space<hbm>>) target(%arg16 : memref<128x128xf32, #tpu.memory_space<vmem>>) offsets(%arg14 : memref<128xi32, #tpu.memory_space<vmem>>) semaphore(%arg17 : memref<!tpu.dma_semaphore, #tpu.memory_space<semaphore_mem>>)
        %dma_wait3A = arith.constant 0 : i32
        %dma_wait3A_51 = arith.constant 0 : i32
        %dma_wait3A_52 = tpu.memref_slice %arg5[%dma_wait3A, %dma_wait3A_51] : memref<628x128xf32, #tpu.memory_space<hbm>> -> memref<628x128xf32, #tpu.memory_space<hbm>>
        tpu.wait_indirect_dma semaphore(%arg17 : memref<!tpu.dma_semaphore, #tpu.memory_space<semaphore_mem>>) src(%dma_wait3A_52 : memref<628x128xf32, #tpu.memory_space<hbm>>) dst(%arg15 : memref<128x128xf32, #tpu.memory_space<vmem>>)
        %dma_wait3A_53 = arith.constant 0 : i32
        %dma_wait3A_54 = arith.constant 0 : i32
        %dma_wait3A_55 = tpu.memref_slice %arg5[%dma_wait3A_53, %dma_wait3A_54] : memref<628x128xf32, #tpu.memory_space<hbm>> -> memref<628x128xf32, #tpu.memory_space<hbm>>
        tpu.wait_indirect_dma semaphore(%arg17 : memref<!tpu.dma_semaphore, #tpu.memory_space<semaphore_mem>>) src(%dma_wait3A_55 : memref<628x128xf32, #tpu.memory_space<hbm>>) dst(%arg16 : memref<128x128xf32, #tpu.memory_space<vmem>>)
        "tpu.region"() ({
          %run_scoped3A = tpu.sem_alloc : memref<!tpu.dma_semaphore, #tpu.memory_space<semaphore_mem>>
          %dma_start3A_56 = arith.constant 0 : i32
          %dma_start3A_57 = arith.constant 0 : i32
          %dma_start3A_58 = tpu.memref_slice %arg11[%select_n3A, %dma_start3A_56, %dma_start3A_57] : memref<4x256x128xf32, #tpu.memory_space<hbm>> -> memref<1x128x128xf32, #tpu.memory_space<hbm>>
          %dma_start3A_59 = tpu.memref_squeeze %dma_start3A_58 : memref<1x128x128xf32, #tpu.memory_space<hbm>> -> memref<128x128xf32, #tpu.memory_space<hbm>>
          %dma_start3A_60 = arith.constant 0 : i32
          %dma_start3A_61 = arith.constant 0 : i32
          %dma_start3A_62 = tpu.memref_slice %arg11[%select_n3A, %dma_start3A_60, %dma_start3A_61] : memref<4x256x128xf32, #tpu.memory_space<hbm>> -> memref<1x128x128xf32, #tpu.memory_space<hbm>>
          %dma_start3A_63 = tpu.memref_squeeze %dma_start3A_62 : memref<1x128x128xf32, #tpu.memory_space<hbm>> -> memref<128x128xf32, #tpu.memory_space<hbm>>
          tpu.enqueue_dma source(%arg15 : memref<128x128xf32, #tpu.memory_space<vmem>>) target(%dma_start3A_63 : memref<128x128xf32, #tpu.memory_space<hbm>>) target_semaphore(%run_scoped3A : memref<!tpu.dma_semaphore, #tpu.memory_space<semaphore_mem>>)
          %dma_wait3A_64 = arith.constant 0 : i32
          %dma_wait3A_65 = arith.constant 0 : i32
          %dma_wait3A_66 = tpu.memref_slice %arg11[%select_n3A, %dma_wait3A_64, %dma_wait3A_65] : memref<4x256x128xf32, #tpu.memory_space<hbm>> -> memref<1x128x128xf32, #tpu.memory_space<hbm>>
          %dma_wait3A_67 = tpu.memref_squeeze %dma_wait3A_66 : memref<1x128x128xf32, #tpu.memory_space<hbm>> -> memref<128x128xf32, #tpu.memory_space<hbm>>
          %dma_wait3A_68 = arith.constant 0 : i32
          %dma_wait3A_69 = arith.constant 0 : i32
          %dma_wait3A_70 = tpu.memref_slice %arg11[%select_n3A, %dma_wait3A_68, %dma_wait3A_69] : memref<4x256x128xf32, #tpu.memory_space<hbm>> -> memref<1x128x128xf32, #tpu.memory_space<hbm>>
          %dma_wait3A_71 = tpu.memref_squeeze %dma_wait3A_70 : memref<1x128x128xf32, #tpu.memory_space<hbm>> -> memref<128x128xf32, #tpu.memory_space<hbm>>
          tpu.wait_dma2 semaphore(%run_scoped3A : memref<!tpu.dma_semaphore, #tpu.memory_space<semaphore_mem>>) src(%arg15 : memref<128x128xf32, #tpu.memory_space<vmem>>) dst(%dma_wait3A_71 : memref<128x128xf32, #tpu.memory_space<hbm>>)
          tpu.yield
        }) : () -> ()
        "tpu.region"() ({
          %run_scoped3A = tpu.sem_alloc : memref<!tpu.dma_semaphore, #tpu.memory_space<semaphore_mem>>
          %dma_start3A_56 = arith.constant 128 : i32
          %dma_start3A_57 = arith.constant 0 : i32
          %dma_start3A_58 = tpu.memref_slice %arg11[%select_n3A, %dma_start3A_56, %dma_start3A_57] : memref<4x256x128xf32, #tpu.memory_space<hbm>> -> memref<1x128x128xf32, #tpu.memory_space<hbm>>
          %dma_start3A_59 = tpu.memref_squeeze %dma_start3A_58 : memref<1x128x128xf32, #tpu.memory_space<hbm>> -> memref<128x128xf32, #tpu.memory_space<hbm>>
          %dma_start3A_60 = arith.constant 128 : i32
          %dma_start3A_61 = arith.constant 0 : i32
          %dma_start3A_62 = tpu.memref_slice %arg11[%select_n3A, %dma_start3A_60, %dma_start3A_61] : memref<4x256x128xf32, #tpu.memory_space<hbm>> -> memref<1x128x128xf32, #tpu.memory_space<hbm>>
          %dma_start3A_63 = tpu.memref_squeeze %dma_start3A_62 : memref<1x128x128xf32, #tpu.memory_space<hbm>> -> memref<128x128xf32, #tpu.memory_space<hbm>>
          tpu.enqueue_dma source(%arg16 : memref<128x128xf32, #tpu.memory_space<vmem>>) target(%dma_start3A_63 : memref<128x128xf32, #tpu.memory_space<hbm>>) target_semaphore(%run_scoped3A : memref<!tpu.dma_semaphore, #tpu.memory_space<semaphore_mem>>)
          %dma_wait3A_64 = arith.constant 128 : i32
          %dma_wait3A_65 = arith.constant 0 : i32
          %dma_wait3A_66 = tpu.memref_slice %arg11[%select_n3A, %dma_wait3A_64, %dma_wait3A_65] : memref<4x256x128xf32, #tpu.memory_space<hbm>> -> memref<1x128x128xf32, #tpu.memory_space<hbm>>
          %dma_wait3A_67 = tpu.memref_squeeze %dma_wait3A_66 : memref<1x128x128xf32, #tpu.memory_space<hbm>> -> memref<128x128xf32, #tpu.memory_space<hbm>>
          %dma_wait3A_68 = arith.constant 128 : i32
          %dma_wait3A_69 = arith.constant 0 : i32
          %dma_wait3A_70 = tpu.memref_slice %arg11[%select_n3A, %dma_wait3A_68, %dma_wait3A_69] : memref<4x256x128xf32, #tpu.memory_space<hbm>> -> memref<1x128x128xf32, #tpu.memory_space<hbm>>
          %dma_wait3A_71 = tpu.memref_squeeze %dma_wait3A_70 : memref<1x128x128xf32, #tpu.memory_space<hbm>> -> memref<128x128xf32, #tpu.memory_space<hbm>>
          tpu.wait_dma2 semaphore(%run_scoped3A : memref<!tpu.dma_semaphore, #tpu.memory_space<semaphore_mem>>) src(%arg16 : memref<128x128xf32, #tpu.memory_space<vmem>>) dst(%dma_wait3A_71 : memref<128x128xf32, #tpu.memory_space<hbm>>)
          tpu.yield
        }) : () -> ()
      } else {
      }
      %eq3A_41 = arith.constant 4 : i32
      %eq3A_42 = arith.cmpi eq, %sub3A_19, %eq3A_41 : i32
      %convert_element_type3A_43 = arith.extui %eq3A_42 : i1 to i32
      %cond3A_44 = arith.constant 0 : i32
      %cond3A_45 = arith.cmpi ne, %convert_element_type3A_43, %cond3A_44 : i32
      scf.if %cond3A_45 {
        %dma_start3A = arith.constant 0 : i32
        %dma_start3A_46 = arith.constant 0 : i32
        %dma_start3A_47 = tpu.memref_slice %arg6[%dma_start3A, %dma_start3A_46] : memref<628x128xf32, #tpu.memory_space<hbm>> -> memref<628x128xf32, #tpu.memory_space<hbm>>
        tpu.enqueue_indirect_dma source(%dma_start3A_47 : memref<628x128xf32, #tpu.memory_space<hbm>>) target(%arg15 : memref<128x128xf32, #tpu.memory_space<vmem>>) offsets(%arg13 : memref<128xi32, #tpu.memory_space<vmem>>) semaphore(%arg17 : memref<!tpu.dma_semaphore, #tpu.memory_space<semaphore_mem>>)
        %dma_start3A_48 = arith.constant 0 : i32
        %dma_start3A_49 = arith.constant 0 : i32
        %dma_start3A_50 = tpu.memref_slice %arg6[%dma_start3A_48, %dma_start3A_49] : memref<628x128xf32, #tpu.memory_space<hbm>> -> memref<628x128xf32, #tpu.memory_space<hbm>>
        tpu.enqueue_indirect_dma source(%dma_start3A_50 : memref<628x128xf32, #tpu.memory_space<hbm>>) target(%arg16 : memref<128x128xf32, #tpu.memory_space<vmem>>) offsets(%arg14 : memref<128xi32, #tpu.memory_space<vmem>>) semaphore(%arg17 : memref<!tpu.dma_semaphore, #tpu.memory_space<semaphore_mem>>)
        %dma_wait3A = arith.constant 0 : i32
        %dma_wait3A_51 = arith.constant 0 : i32
        %dma_wait3A_52 = tpu.memref_slice %arg6[%dma_wait3A, %dma_wait3A_51] : memref<628x128xf32, #tpu.memory_space<hbm>> -> memref<628x128xf32, #tpu.memory_space<hbm>>
        tpu.wait_indirect_dma semaphore(%arg17 : memref<!tpu.dma_semaphore, #tpu.memory_space<semaphore_mem>>) src(%dma_wait3A_52 : memref<628x128xf32, #tpu.memory_space<hbm>>) dst(%arg15 : memref<128x128xf32, #tpu.memory_space<vmem>>)
        %dma_wait3A_53 = arith.constant 0 : i32
        %dma_wait3A_54 = arith.constant 0 : i32
        %dma_wait3A_55 = tpu.memref_slice %arg6[%dma_wait3A_53, %dma_wait3A_54] : memref<628x128xf32, #tpu.memory_space<hbm>> -> memref<628x128xf32, #tpu.memory_space<hbm>>
        tpu.wait_indirect_dma semaphore(%arg17 : memref<!tpu.dma_semaphore, #tpu.memory_space<semaphore_mem>>) src(%dma_wait3A_55 : memref<628x128xf32, #tpu.memory_space<hbm>>) dst(%arg16 : memref<128x128xf32, #tpu.memory_space<vmem>>)
        "tpu.region"() ({
          %run_scoped3A = tpu.sem_alloc : memref<!tpu.dma_semaphore, #tpu.memory_space<semaphore_mem>>
          %dma_start3A_56 = arith.constant 0 : i32
          %dma_start3A_57 = arith.constant 0 : i32
          %dma_start3A_58 = tpu.memref_slice %arg12[%select_n3A, %dma_start3A_56, %dma_start3A_57] : memref<4x256x128xf32, #tpu.memory_space<hbm>> -> memref<1x128x128xf32, #tpu.memory_space<hbm>>
          %dma_start3A_59 = tpu.memref_squeeze %dma_start3A_58 : memref<1x128x128xf32, #tpu.memory_space<hbm>> -> memref<128x128xf32, #tpu.memory_space<hbm>>
          %dma_start3A_60 = arith.constant 0 : i32
          %dma_start3A_61 = arith.constant 0 : i32
          %dma_start3A_62 = tpu.memref_slice %arg12[%select_n3A, %dma_start3A_60, %dma_start3A_61] : memref<4x256x128xf32, #tpu.memory_space<hbm>> -> memref<1x128x128xf32, #tpu.memory_space<hbm>>
          %dma_start3A_63 = tpu.memref_squeeze %dma_start3A_62 : memref<1x128x128xf32, #tpu.memory_space<hbm>> -> memref<128x128xf32, #tpu.memory_space<hbm>>
          tpu.enqueue_dma source(%arg15 : memref<128x128xf32, #tpu.memory_space<vmem>>) target(%dma_start3A_63 : memref<128x128xf32, #tpu.memory_space<hbm>>) target_semaphore(%run_scoped3A : memref<!tpu.dma_semaphore, #tpu.memory_space<semaphore_mem>>)
          %dma_wait3A_64 = arith.constant 0 : i32
          %dma_wait3A_65 = arith.constant 0 : i32
          %dma_wait3A_66 = tpu.memref_slice %arg12[%select_n3A, %dma_wait3A_64, %dma_wait3A_65] : memref<4x256x128xf32, #tpu.memory_space<hbm>> -> memref<1x128x128xf32, #tpu.memory_space<hbm>>
          %dma_wait3A_67 = tpu.memref_squeeze %dma_wait3A_66 : memref<1x128x128xf32, #tpu.memory_space<hbm>> -> memref<128x128xf32, #tpu.memory_space<hbm>>
          %dma_wait3A_68 = arith.constant 0 : i32
          %dma_wait3A_69 = arith.constant 0 : i32
          %dma_wait3A_70 = tpu.memref_slice %arg12[%select_n3A, %dma_wait3A_68, %dma_wait3A_69] : memref<4x256x128xf32, #tpu.memory_space<hbm>> -> memref<1x128x128xf32, #tpu.memory_space<hbm>>
          %dma_wait3A_71 = tpu.memref_squeeze %dma_wait3A_70 : memref<1x128x128xf32, #tpu.memory_space<hbm>> -> memref<128x128xf32, #tpu.memory_space<hbm>>
          tpu.wait_dma2 semaphore(%run_scoped3A : memref<!tpu.dma_semaphore, #tpu.memory_space<semaphore_mem>>) src(%arg15 : memref<128x128xf32, #tpu.memory_space<vmem>>) dst(%dma_wait3A_71 : memref<128x128xf32, #tpu.memory_space<hbm>>)
          tpu.yield
        }) : () -> ()
        "tpu.region"() ({
          %run_scoped3A = tpu.sem_alloc : memref<!tpu.dma_semaphore, #tpu.memory_space<semaphore_mem>>
          %dma_start3A_56 = arith.constant 128 : i32
          %dma_start3A_57 = arith.constant 0 : i32
          %dma_start3A_58 = tpu.memref_slice %arg12[%select_n3A, %dma_start3A_56, %dma_start3A_57] : memref<4x256x128xf32, #tpu.memory_space<hbm>> -> memref<1x128x128xf32, #tpu.memory_space<hbm>>
          %dma_start3A_59 = tpu.memref_squeeze %dma_start3A_58 : memref<1x128x128xf32, #tpu.memory_space<hbm>> -> memref<128x128xf32, #tpu.memory_space<hbm>>
          %dma_start3A_60 = arith.constant 128 : i32
          %dma_start3A_61 = arith.constant 0 : i32
          %dma_start3A_62 = tpu.memref_slice %arg12[%select_n3A, %dma_start3A_60, %dma_start3A_61] : memref<4x256x128xf32, #tpu.memory_space<hbm>> -> memref<1x128x128xf32, #tpu.memory_space<hbm>>
          %dma_start3A_63 = tpu.memref_squeeze %dma_start3A_62 : memref<1x128x128xf32, #tpu.memory_space<hbm>> -> memref<128x128xf32, #tpu.memory_space<hbm>>
          tpu.enqueue_dma source(%arg16 : memref<128x128xf32, #tpu.memory_space<vmem>>) target(%dma_start3A_63 : memref<128x128xf32, #tpu.memory_space<hbm>>) target_semaphore(%run_scoped3A : memref<!tpu.dma_semaphore, #tpu.memory_space<semaphore_mem>>)
          %dma_wait3A_64 = arith.constant 128 : i32
          %dma_wait3A_65 = arith.constant 0 : i32
          %dma_wait3A_66 = tpu.memref_slice %arg12[%select_n3A, %dma_wait3A_64, %dma_wait3A_65] : memref<4x256x128xf32, #tpu.memory_space<hbm>> -> memref<1x128x128xf32, #tpu.memory_space<hbm>>
          %dma_wait3A_67 = tpu.memref_squeeze %dma_wait3A_66 : memref<1x128x128xf32, #tpu.memory_space<hbm>> -> memref<128x128xf32, #tpu.memory_space<hbm>>
          %dma_wait3A_68 = arith.constant 128 : i32
          %dma_wait3A_69 = arith.constant 0 : i32
          %dma_wait3A_70 = tpu.memref_slice %arg12[%select_n3A, %dma_wait3A_68, %dma_wait3A_69] : memref<4x256x128xf32, #tpu.memory_space<hbm>> -> memref<1x128x128xf32, #tpu.memory_space<hbm>>
          %dma_wait3A_71 = tpu.memref_squeeze %dma_wait3A_70 : memref<1x128x128xf32, #tpu.memory_space<hbm>> -> memref<128x128xf32, #tpu.memory_space<hbm>>
          tpu.wait_dma2 semaphore(%run_scoped3A : memref<!tpu.dma_semaphore, #tpu.memory_space<semaphore_mem>>) src(%arg16 : memref<128x128xf32, #tpu.memory_space<vmem>>) dst(%dma_wait3A_71 : memref<128x128xf32, #tpu.memory_space<hbm>>)
          tpu.yield
        }) : () -> ()
      } else {
      }
    } else {
    }
    return
  }
}

module attributes {stable_mosaic.version = 14 : i64} {
  func.func @_keep_body(%arg0: i32, %arg1: memref<1x1x320xf32, #tpu.memory_space<smem>>, %arg2: memref<1x157x128xf32, #tpu.memory_space<vmem>>, %arg3: memref<1x157x128xf32, #tpu.memory_space<vmem>>, %arg4: memref<1x157x128xf32, #tpu.memory_space<vmem>>, %arg5: memref<1x157x128xf32, #tpu.memory_space<vmem>>, %arg6: memref<1x256x1xf32, #tpu.memory_space<vmem>>, %arg7: memref<1x1x128xf32, #tpu.memory_space<vmem>>, %arg8: memref<1x157x128xf32, #tpu.memory_space<vmem>>, %arg9: memref<157x128xf32, #tpu.memory_space<vmem>>) attributes {dimension_semantics = [#tpu.dimension_semantics<arbitrary>], iteration_bounds = array<i64: 4>, scalar_prefetch = 0 : i64, scratch_operands = 1 : i64, tpu.core_type = #tpu.core_type<tc>, window_params = [{transform_indices = @transform_0, window_bounds = array<i64: 1, 1, 320>}, {transform_indices = @transform_1, window_bounds = array<i64: 1, 157, 128>}, {transform_indices = @transform_2, window_bounds = array<i64: 1, 157, 128>}, {transform_indices = @transform_3, window_bounds = array<i64: 1, 157, 128>}, {transform_indices = @transform_4, window_bounds = array<i64: 1, 157, 128>}, {transform_indices = @transform_5, window_bounds = array<i64: 1, 256, 1>}, {transform_indices = @transform_6, window_bounds = array<i64: 1, 1, 128>}, {transform_indices = @transform_7, window_bounds = array<i64: 1, 157, 128>}]} {
    %get3A = arith.constant 0 : index
    %get3A_0 = arith.constant 0 : index
    %get3A_1 = arith.constant 0 : index
    %get3A_2 = vector.load %arg2[%get3A, %get3A_0, %get3A_1] : memref<1x157x128xf32, #tpu.memory_space<vmem>>, vector<1x157x128xf32>
    %get3A_3 = vector.shape_cast %get3A_2 : vector<1x157x128xf32> to vector<157x128xf32>
    %get3A_4 = arith.constant 0 : index
    %get3A_5 = arith.constant 0 : index
    %get3A_6 = arith.constant 0 : index
    %get3A_7 = vector.load %arg3[%get3A_4, %get3A_5, %get3A_6] : memref<1x157x128xf32, #tpu.memory_space<vmem>>, vector<1x157x128xf32>
    %get3A_8 = vector.shape_cast %get3A_7 : vector<1x157x128xf32> to vector<157x128xf32>
    %get3A_9 = arith.constant 0 : index
    %get3A_10 = arith.constant 0 : index
    %get3A_11 = arith.constant 0 : index
    %get3A_12 = vector.load %arg4[%get3A_9, %get3A_10, %get3A_11] : memref<1x157x128xf32, #tpu.memory_space<vmem>>, vector<1x157x128xf32>
    %get3A_13 = vector.shape_cast %get3A_12 : vector<1x157x128xf32> to vector<157x128xf32>
    %get3A_14 = arith.constant 0 : index
    %get3A_15 = arith.constant 0 : index
    %get3A_16 = arith.constant 0 : index
    %get3A_17 = vector.load %arg5[%get3A_14, %get3A_15, %get3A_16] : memref<1x157x128xf32, #tpu.memory_space<vmem>>, vector<1x157x128xf32>
    %get3A_18 = vector.shape_cast %get3A_17 : vector<1x157x128xf32> to vector<157x128xf32>
    %sub3A = arith.subf %get3A_13, %get3A_3 : vector<157x128xf32>
    %add3A = arith.constant 1.000000e+00 : f32
    %add3A_19 = vector.broadcast %add3A : f32 to vector<157x128xf32>
    %add3A_20 = arith.addf %sub3A, %add3A_19 : vector<157x128xf32>
    %sub3A_21 = arith.subf %get3A_18, %get3A_8 : vector<157x128xf32>
    %add3A_22 = arith.constant 1.000000e+00 : f32
    %add3A_23 = vector.broadcast %add3A_22 : f32 to vector<157x128xf32>
    %add3A_24 = arith.addf %sub3A_21, %add3A_23 : vector<157x128xf32>
    %mul3A = arith.mulf %add3A_20, %add3A_24 : vector<157x128xf32>
    %broadcast_in_dim3A = arith.constant -1.000000e+00 : f32
    %broadcast_in_dim3A_25 = vector.broadcast %broadcast_in_dim3A : f32 to vector<157x128xf32>
    %broadcast_in_dim3A_26 = arith.constant 0.000000e+00 : f32
    %broadcast_in_dim3A_27 = vector.broadcast %broadcast_in_dim3A_26 : f32 to vector<157x128xf32>
    %scan3A = arith.constant 0 : i32
    %scan3A_28 = arith.constant 50 : i32
    %scan3A_29 = arith.addi %scan3A, %scan3A_28 : i32
    %scan3A_30 = arith.constant 10 : i32
    %scan3A_31:2 = scf.for %scan3A_237 = %scan3A to %scan3A_29 step %scan3A_30 iter_args(%scan3A_238 = %broadcast_in_dim3A_25, %scan3A_239 = %broadcast_in_dim3A_27) -> (vector<157x128xf32>, vector<157x128xf32>)  : i32 {
      %get3A_240 = arith.constant 0 : index
      %get3A_241 = arith.constant 0 : index
      %get3A_242 = arith.index_cast %scan3A_237 : i32 to index
      %get3A_243 = memref.load %arg1[%get3A_240, %get3A_241, %get3A_242] : memref<1x1x320xf32, #tpu.memory_space<smem>>
      %add3A_244 = arith.constant 64 : i32
      %add3A_245 = arith.addi %add3A_244, %scan3A_237 : i32
      %get3A_246 = arith.constant 0 : index
      %get3A_247 = arith.constant 0 : index
      %get3A_248 = arith.index_cast %add3A_245 : i32 to index
      %get3A_249 = memref.load %arg1[%get3A_246, %get3A_247, %get3A_248] : memref<1x1x320xf32, #tpu.memory_space<smem>>
      %add3A_250 = arith.constant 128 : i32
      %add3A_251 = arith.addi %add3A_250, %scan3A_237 : i32
      %get3A_252 = arith.constant 0 : index
      %get3A_253 = arith.constant 0 : index
      %get3A_254 = arith.index_cast %add3A_251 : i32 to index
      %get3A_255 = memref.load %arg1[%get3A_252, %get3A_253, %get3A_254] : memref<1x1x320xf32, #tpu.memory_space<smem>>
      %add3A_256 = arith.constant 192 : i32
      %add3A_257 = arith.addi %add3A_256, %scan3A_237 : i32
      %get3A_258 = arith.constant 0 : index
      %get3A_259 = arith.constant 0 : index
      %get3A_260 = arith.index_cast %add3A_257 : i32 to index
      %get3A_261 = memref.load %arg1[%get3A_258, %get3A_259, %get3A_260] : memref<1x1x320xf32, #tpu.memory_space<smem>>
      %min3A_262 = vector.broadcast %get3A_255 : f32 to vector<157x128xf32>
      %min3A_263 = arith.minimumf %get3A_13, %min3A_262 : vector<157x128xf32>
      %max3A_264 = vector.broadcast %get3A_243 : f32 to vector<157x128xf32>
      %max3A_265 = arith.maximumf %get3A_3, %max3A_264 : vector<157x128xf32>
      %sub3A_266 = arith.subf %min3A_263, %max3A_265 : vector<157x128xf32>
      %add3A_267 = arith.constant 1.000000e+00 : f32
      %add3A_268 = vector.broadcast %add3A_267 : f32 to vector<157x128xf32>
      %add3A_269 = arith.addf %sub3A_266, %add3A_268 : vector<157x128xf32>
      %max3A_270 = arith.constant 0.000000e+00 : f32
      %max3A_271 = vector.broadcast %max3A_270 : f32 to vector<157x128xf32>
      %max3A_272 = arith.maximumf %add3A_269, %max3A_271 : vector<157x128xf32>
      %min3A_273 = vector.broadcast %get3A_261 : f32 to vector<157x128xf32>
      %min3A_274 = arith.minimumf %get3A_18, %min3A_273 : vector<157x128xf32>
      %max3A_275 = vector.broadcast %get3A_249 : f32 to vector<157x128xf32>
      %max3A_276 = arith.maximumf %get3A_8, %max3A_275 : vector<157x128xf32>
      %sub3A_277 = arith.subf %min3A_274, %max3A_276 : vector<157x128xf32>
      %add3A_278 = arith.constant 1.000000e+00 : f32
      %add3A_279 = vector.broadcast %add3A_278 : f32 to vector<157x128xf32>
      %add3A_280 = arith.addf %sub3A_277, %add3A_279 : vector<157x128xf32>
      %max3A_281 = arith.constant 0.000000e+00 : f32
      %max3A_282 = vector.broadcast %max3A_281 : f32 to vector<157x128xf32>
      %max3A_283 = arith.maximumf %add3A_280, %max3A_282 : vector<157x128xf32>
      %mul3A_284 = arith.mulf %max3A_272, %max3A_283 : vector<157x128xf32>
      %sub3A_285 = arith.subf %get3A_255, %get3A_243 : f32
      %add3A_286 = arith.constant 1.000000e+00 : f32
      %add3A_287 = arith.addf %sub3A_285, %add3A_286 : f32
      %sub3A_288 = arith.subf %get3A_261, %get3A_249 : f32
      %add3A_289 = arith.constant 1.000000e+00 : f32
      %add3A_290 = arith.addf %sub3A_288, %add3A_289 : f32
      %mul3A_291 = arith.mulf %add3A_287, %add3A_290 : f32
      %add3A_292 = vector.broadcast %mul3A_291 : f32 to vector<157x128xf32>
      %add3A_293 = arith.addf %mul3A, %add3A_292 : vector<157x128xf32>
      %sub3A_294 = arith.subf %add3A_293, %mul3A_284 : vector<157x128xf32>
      %div3A = arith.divf %mul3A_284, %sub3A_294 : vector<157x128xf32>
      %gt3A_295 = arith.cmpf ogt, %div3A, %scan3A_238 : vector<157x128xf32>
      %select_n3A_296 = arith.select %gt3A_295, %div3A, %scan3A_238 : vector<157x128xi1>, vector<157x128xf32>
      %convert_element_type3A_297 = arith.sitofp %scan3A_237 : i32 to f32
      %broadcast_in_dim3A_298 = vector.broadcast %convert_element_type3A_297 : f32 to vector<157x128xf32>
      %select_n3A_299 = arith.select %gt3A_295, %broadcast_in_dim3A_298, %scan3A_239 : vector<157x128xi1>, vector<157x128xf32>
      %scan3A_300 = arith.constant 1 : i32
      %scan3A_301 = arith.addi %scan3A_237, %scan3A_300 : i32
      %get3A_302 = arith.constant 0 : index
      %get3A_303 = arith.constant 0 : index
      %get3A_304 = arith.index_cast %scan3A_301 : i32 to index
      %get3A_305 = memref.load %arg1[%get3A_302, %get3A_303, %get3A_304] : memref<1x1x320xf32, #tpu.memory_space<smem>>
      %add3A_306 = arith.constant 64 : i32
      %add3A_307 = arith.addi %add3A_306, %scan3A_301 : i32
      %get3A_308 = arith.constant 0 : index
      %get3A_309 = arith.constant 0 : index
      %get3A_310 = arith.index_cast %add3A_307 : i32 to index
      %get3A_311 = memref.load %arg1[%get3A_308, %get3A_309, %get3A_310] : memref<1x1x320xf32, #tpu.memory_space<smem>>
      %add3A_312 = arith.constant 128 : i32
      %add3A_313 = arith.addi %add3A_312, %scan3A_301 : i32
      %get3A_314 = arith.constant 0 : index
      %get3A_315 = arith.constant 0 : index
      %get3A_316 = arith.index_cast %add3A_313 : i32 to index
      %get3A_317 = memref.load %arg1[%get3A_314, %get3A_315, %get3A_316] : memref<1x1x320xf32, #tpu.memory_space<smem>>
      %add3A_318 = arith.constant 192 : i32
      %add3A_319 = arith.addi %add3A_318, %scan3A_301 : i32
      %get3A_320 = arith.constant 0 : index
      %get3A_321 = arith.constant 0 : index
      %get3A_322 = arith.index_cast %add3A_319 : i32 to index
      %get3A_323 = memref.load %arg1[%get3A_320, %get3A_321, %get3A_322] : memref<1x1x320xf32, #tpu.memory_space<smem>>
      %min3A_324 = vector.broadcast %get3A_317 : f32 to vector<157x128xf32>
      %min3A_325 = arith.minimumf %get3A_13, %min3A_324 : vector<157x128xf32>
      %max3A_326 = vector.broadcast %get3A_305 : f32 to vector<157x128xf32>
      %max3A_327 = arith.maximumf %get3A_3, %max3A_326 : vector<157x128xf32>
      %sub3A_328 = arith.subf %min3A_325, %max3A_327 : vector<157x128xf32>
      %add3A_329 = arith.constant 1.000000e+00 : f32
      %add3A_330 = vector.broadcast %add3A_329 : f32 to vector<157x128xf32>
      %add3A_331 = arith.addf %sub3A_328, %add3A_330 : vector<157x128xf32>
      %max3A_332 = arith.constant 0.000000e+00 : f32
      %max3A_333 = vector.broadcast %max3A_332 : f32 to vector<157x128xf32>
      %max3A_334 = arith.maximumf %add3A_331, %max3A_333 : vector<157x128xf32>
      %min3A_335 = vector.broadcast %get3A_323 : f32 to vector<157x128xf32>
      %min3A_336 = arith.minimumf %get3A_18, %min3A_335 : vector<157x128xf32>
      %max3A_337 = vector.broadcast %get3A_311 : f32 to vector<157x128xf32>
      %max3A_338 = arith.maximumf %get3A_8, %max3A_337 : vector<157x128xf32>
      %sub3A_339 = arith.subf %min3A_336, %max3A_338 : vector<157x128xf32>
      %add3A_340 = arith.constant 1.000000e+00 : f32
      %add3A_341 = vector.broadcast %add3A_340 : f32 to vector<157x128xf32>
      %add3A_342 = arith.addf %sub3A_339, %add3A_341 : vector<157x128xf32>
      %max3A_343 = arith.constant 0.000000e+00 : f32
      %max3A_344 = vector.broadcast %max3A_343 : f32 to vector<157x128xf32>
      %max3A_345 = arith.maximumf %add3A_342, %max3A_344 : vector<157x128xf32>
      %mul3A_346 = arith.mulf %max3A_334, %max3A_345 : vector<157x128xf32>
      %sub3A_347 = arith.subf %get3A_317, %get3A_305 : f32
      %add3A_348 = arith.constant 1.000000e+00 : f32
      %add3A_349 = arith.addf %sub3A_347, %add3A_348 : f32
      %sub3A_350 = arith.subf %get3A_323, %get3A_311 : f32
      %add3A_351 = arith.constant 1.000000e+00 : f32
      %add3A_352 = arith.addf %sub3A_350, %add3A_351 : f32
      %mul3A_353 = arith.mulf %add3A_349, %add3A_352 : f32
      %add3A_354 = vector.broadcast %mul3A_353 : f32 to vector<157x128xf32>
      %add3A_355 = arith.addf %mul3A, %add3A_354 : vector<157x128xf32>
      %sub3A_356 = arith.subf %add3A_355, %mul3A_346 : vector<157x128xf32>
      %div3A_357 = arith.divf %mul3A_346, %sub3A_356 : vector<157x128xf32>
      %gt3A_358 = arith.cmpf ogt, %div3A_357, %select_n3A_296 : vector<157x128xf32>
      %select_n3A_359 = arith.select %gt3A_358, %div3A_357, %select_n3A_296 : vector<157x128xi1>, vector<157x128xf32>
      %convert_element_type3A_360 = arith.sitofp %scan3A_301 : i32 to f32
      %broadcast_in_dim3A_361 = vector.broadcast %convert_element_type3A_360 : f32 to vector<157x128xf32>
      %select_n3A_362 = arith.select %gt3A_358, %broadcast_in_dim3A_361, %select_n3A_299 : vector<157x128xi1>, vector<157x128xf32>
      %scan3A_363 = arith.constant 2 : i32
      %scan3A_364 = arith.addi %scan3A_237, %scan3A_363 : i32
      %get3A_365 = arith.constant 0 : index
      %get3A_366 = arith.constant 0 : index
      %get3A_367 = arith.index_cast %scan3A_364 : i32 to index
      %get3A_368 = memref.load %arg1[%get3A_365, %get3A_366, %get3A_367] : memref<1x1x320xf32, #tpu.memory_space<smem>>
      %add3A_369 = arith.constant 64 : i32
      %add3A_370 = arith.addi %add3A_369, %scan3A_364 : i32
      %get3A_371 = arith.constant 0 : index
      %get3A_372 = arith.constant 0 : index
      %get3A_373 = arith.index_cast %add3A_370 : i32 to index
      %get3A_374 = memref.load %arg1[%get3A_371, %get3A_372, %get3A_373] : memref<1x1x320xf32, #tpu.memory_space<smem>>
      %add3A_375 = arith.constant 128 : i32
      %add3A_376 = arith.addi %add3A_375, %scan3A_364 : i32
      %get3A_377 = arith.constant 0 : index
      %get3A_378 = arith.constant 0 : index
      %get3A_379 = arith.index_cast %add3A_376 : i32 to index
      %get3A_380 = memref.load %arg1[%get3A_377, %get3A_378, %get3A_379] : memref<1x1x320xf32, #tpu.memory_space<smem>>
      %add3A_381 = arith.constant 192 : i32
      %add3A_382 = arith.addi %add3A_381, %scan3A_364 : i32
      %get3A_383 = arith.constant 0 : index
      %get3A_384 = arith.constant 0 : index
      %get3A_385 = arith.index_cast %add3A_382 : i32 to index
      %get3A_386 = memref.load %arg1[%get3A_383, %get3A_384, %get3A_385] : memref<1x1x320xf32, #tpu.memory_space<smem>>
      %min3A_387 = vector.broadcast %get3A_380 : f32 to vector<157x128xf32>
      %min3A_388 = arith.minimumf %get3A_13, %min3A_387 : vector<157x128xf32>
      %max3A_389 = vector.broadcast %get3A_368 : f32 to vector<157x128xf32>
      %max3A_390 = arith.maximumf %get3A_3, %max3A_389 : vector<157x128xf32>
      %sub3A_391 = arith.subf %min3A_388, %max3A_390 : vector<157x128xf32>
      %add3A_392 = arith.constant 1.000000e+00 : f32
      %add3A_393 = vector.broadcast %add3A_392 : f32 to vector<157x128xf32>
      %add3A_394 = arith.addf %sub3A_391, %add3A_393 : vector<157x128xf32>
      %max3A_395 = arith.constant 0.000000e+00 : f32
      %max3A_396 = vector.broadcast %max3A_395 : f32 to vector<157x128xf32>
      %max3A_397 = arith.maximumf %add3A_394, %max3A_396 : vector<157x128xf32>
      %min3A_398 = vector.broadcast %get3A_386 : f32 to vector<157x128xf32>
      %min3A_399 = arith.minimumf %get3A_18, %min3A_398 : vector<157x128xf32>
      %max3A_400 = vector.broadcast %get3A_374 : f32 to vector<157x128xf32>
      %max3A_401 = arith.maximumf %get3A_8, %max3A_400 : vector<157x128xf32>
      %sub3A_402 = arith.subf %min3A_399, %max3A_401 : vector<157x128xf32>
      %add3A_403 = arith.constant 1.000000e+00 : f32
      %add3A_404 = vector.broadcast %add3A_403 : f32 to vector<157x128xf32>
      %add3A_405 = arith.addf %sub3A_402, %add3A_404 : vector<157x128xf32>
      %max3A_406 = arith.constant 0.000000e+00 : f32
      %max3A_407 = vector.broadcast %max3A_406 : f32 to vector<157x128xf32>
      %max3A_408 = arith.maximumf %add3A_405, %max3A_407 : vector<157x128xf32>
      %mul3A_409 = arith.mulf %max3A_397, %max3A_408 : vector<157x128xf32>
      %sub3A_410 = arith.subf %get3A_380, %get3A_368 : f32
      %add3A_411 = arith.constant 1.000000e+00 : f32
      %add3A_412 = arith.addf %sub3A_410, %add3A_411 : f32
      %sub3A_413 = arith.subf %get3A_386, %get3A_374 : f32
      %add3A_414 = arith.constant 1.000000e+00 : f32
      %add3A_415 = arith.addf %sub3A_413, %add3A_414 : f32
      %mul3A_416 = arith.mulf %add3A_412, %add3A_415 : f32
      %add3A_417 = vector.broadcast %mul3A_416 : f32 to vector<157x128xf32>
      %add3A_418 = arith.addf %mul3A, %add3A_417 : vector<157x128xf32>
      %sub3A_419 = arith.subf %add3A_418, %mul3A_409 : vector<157x128xf32>
      %div3A_420 = arith.divf %mul3A_409, %sub3A_419 : vector<157x128xf32>
      %gt3A_421 = arith.cmpf ogt, %div3A_420, %select_n3A_359 : vector<157x128xf32>
      %select_n3A_422 = arith.select %gt3A_421, %div3A_420, %select_n3A_359 : vector<157x128xi1>, vector<157x128xf32>
      %convert_element_type3A_423 = arith.sitofp %scan3A_364 : i32 to f32
      %broadcast_in_dim3A_424 = vector.broadcast %convert_element_type3A_423 : f32 to vector<157x128xf32>
      %select_n3A_425 = arith.select %gt3A_421, %broadcast_in_dim3A_424, %select_n3A_362 : vector<157x128xi1>, vector<157x128xf32>
      %scan3A_426 = arith.constant 3 : i32
      %scan3A_427 = arith.addi %scan3A_237, %scan3A_426 : i32
      %get3A_428 = arith.constant 0 : index
      %get3A_429 = arith.constant 0 : index
      %get3A_430 = arith.index_cast %scan3A_427 : i32 to index
      %get3A_431 = memref.load %arg1[%get3A_428, %get3A_429, %get3A_430] : memref<1x1x320xf32, #tpu.memory_space<smem>>
      %add3A_432 = arith.constant 64 : i32
      %add3A_433 = arith.addi %add3A_432, %scan3A_427 : i32
      %get3A_434 = arith.constant 0 : index
      %get3A_435 = arith.constant 0 : index
      %get3A_436 = arith.index_cast %add3A_433 : i32 to index
      %get3A_437 = memref.load %arg1[%get3A_434, %get3A_435, %get3A_436] : memref<1x1x320xf32, #tpu.memory_space<smem>>
      %add3A_438 = arith.constant 128 : i32
      %add3A_439 = arith.addi %add3A_438, %scan3A_427 : i32
      %get3A_440 = arith.constant 0 : index
      %get3A_441 = arith.constant 0 : index
      %get3A_442 = arith.index_cast %add3A_439 : i32 to index
      %get3A_443 = memref.load %arg1[%get3A_440, %get3A_441, %get3A_442] : memref<1x1x320xf32, #tpu.memory_space<smem>>
      %add3A_444 = arith.constant 192 : i32
      %add3A_445 = arith.addi %add3A_444, %scan3A_427 : i32
      %get3A_446 = arith.constant 0 : index
      %get3A_447 = arith.constant 0 : index
      %get3A_448 = arith.index_cast %add3A_445 : i32 to index
      %get3A_449 = memref.load %arg1[%get3A_446, %get3A_447, %get3A_448] : memref<1x1x320xf32, #tpu.memory_space<smem>>
      %min3A_450 = vector.broadcast %get3A_443 : f32 to vector<157x128xf32>
      %min3A_451 = arith.minimumf %get3A_13, %min3A_450 : vector<157x128xf32>
      %max3A_452 = vector.broadcast %get3A_431 : f32 to vector<157x128xf32>
      %max3A_453 = arith.maximumf %get3A_3, %max3A_452 : vector<157x128xf32>
      %sub3A_454 = arith.subf %min3A_451, %max3A_453 : vector<157x128xf32>
      %add3A_455 = arith.constant 1.000000e+00 : f32
      %add3A_456 = vector.broadcast %add3A_455 : f32 to vector<157x128xf32>
      %add3A_457 = arith.addf %sub3A_454, %add3A_456 : vector<157x128xf32>
      %max3A_458 = arith.constant 0.000000e+00 : f32
      %max3A_459 = vector.broadcast %max3A_458 : f32 to vector<157x128xf32>
      %max3A_460 = arith.maximumf %add3A_457, %max3A_459 : vector<157x128xf32>
      %min3A_461 = vector.broadcast %get3A_449 : f32 to vector<157x128xf32>
      %min3A_462 = arith.minimumf %get3A_18, %min3A_461 : vector<157x128xf32>
      %max3A_463 = vector.broadcast %get3A_437 : f32 to vector<157x128xf32>
      %max3A_464 = arith.maximumf %get3A_8, %max3A_463 : vector<157x128xf32>
      %sub3A_465 = arith.subf %min3A_462, %max3A_464 : vector<157x128xf32>
      %add3A_466 = arith.constant 1.000000e+00 : f32
      %add3A_467 = vector.broadcast %add3A_466 : f32 to vector<157x128xf32>
      %add3A_468 = arith.addf %sub3A_465, %add3A_467 : vector<157x128xf32>
      %max3A_469 = arith.constant 0.000000e+00 : f32
      %max3A_470 = vector.broadcast %max3A_469 : f32 to vector<157x128xf32>
      %max3A_471 = arith.maximumf %add3A_468, %max3A_470 : vector<157x128xf32>
      %mul3A_472 = arith.mulf %max3A_460, %max3A_471 : vector<157x128xf32>
      %sub3A_473 = arith.subf %get3A_443, %get3A_431 : f32
      %add3A_474 = arith.constant 1.000000e+00 : f32
      %add3A_475 = arith.addf %sub3A_473, %add3A_474 : f32
      %sub3A_476 = arith.subf %get3A_449, %get3A_437 : f32
      %add3A_477 = arith.constant 1.000000e+00 : f32
      %add3A_478 = arith.addf %sub3A_476, %add3A_477 : f32
      %mul3A_479 = arith.mulf %add3A_475, %add3A_478 : f32
      %add3A_480 = vector.broadcast %mul3A_479 : f32 to vector<157x128xf32>
      %add3A_481 = arith.addf %mul3A, %add3A_480 : vector<157x128xf32>
      %sub3A_482 = arith.subf %add3A_481, %mul3A_472 : vector<157x128xf32>
      %div3A_483 = arith.divf %mul3A_472, %sub3A_482 : vector<157x128xf32>
      %gt3A_484 = arith.cmpf ogt, %div3A_483, %select_n3A_422 : vector<157x128xf32>
      %select_n3A_485 = arith.select %gt3A_484, %div3A_483, %select_n3A_422 : vector<157x128xi1>, vector<157x128xf32>
      %convert_element_type3A_486 = arith.sitofp %scan3A_427 : i32 to f32
      %broadcast_in_dim3A_487 = vector.broadcast %convert_element_type3A_486 : f32 to vector<157x128xf32>
      %select_n3A_488 = arith.select %gt3A_484, %broadcast_in_dim3A_487, %select_n3A_425 : vector<157x128xi1>, vector<157x128xf32>
      %scan3A_489 = arith.constant 4 : i32
      %scan3A_490 = arith.addi %scan3A_237, %scan3A_489 : i32
      %get3A_491 = arith.constant 0 : index
      %get3A_492 = arith.constant 0 : index
      %get3A_493 = arith.index_cast %scan3A_490 : i32 to index
      %get3A_494 = memref.load %arg1[%get3A_491, %get3A_492, %get3A_493] : memref<1x1x320xf32, #tpu.memory_space<smem>>
      %add3A_495 = arith.constant 64 : i32
      %add3A_496 = arith.addi %add3A_495, %scan3A_490 : i32
      %get3A_497 = arith.constant 0 : index
      %get3A_498 = arith.constant 0 : index
      %get3A_499 = arith.index_cast %add3A_496 : i32 to index
      %get3A_500 = memref.load %arg1[%get3A_497, %get3A_498, %get3A_499] : memref<1x1x320xf32, #tpu.memory_space<smem>>
      %add3A_501 = arith.constant 128 : i32
      %add3A_502 = arith.addi %add3A_501, %scan3A_490 : i32
      %get3A_503 = arith.constant 0 : index
      %get3A_504 = arith.constant 0 : index
      %get3A_505 = arith.index_cast %add3A_502 : i32 to index
      %get3A_506 = memref.load %arg1[%get3A_503, %get3A_504, %get3A_505] : memref<1x1x320xf32, #tpu.memory_space<smem>>
      %add3A_507 = arith.constant 192 : i32
      %add3A_508 = arith.addi %add3A_507, %scan3A_490 : i32
      %get3A_509 = arith.constant 0 : index
      %get3A_510 = arith.constant 0 : index
      %get3A_511 = arith.index_cast %add3A_508 : i32 to index
      %get3A_512 = memref.load %arg1[%get3A_509, %get3A_510, %get3A_511] : memref<1x1x320xf32, #tpu.memory_space<smem>>
      %min3A_513 = vector.broadcast %get3A_506 : f32 to vector<157x128xf32>
      %min3A_514 = arith.minimumf %get3A_13, %min3A_513 : vector<157x128xf32>
      %max3A_515 = vector.broadcast %get3A_494 : f32 to vector<157x128xf32>
      %max3A_516 = arith.maximumf %get3A_3, %max3A_515 : vector<157x128xf32>
      %sub3A_517 = arith.subf %min3A_514, %max3A_516 : vector<157x128xf32>
      %add3A_518 = arith.constant 1.000000e+00 : f32
      %add3A_519 = vector.broadcast %add3A_518 : f32 to vector<157x128xf32>
      %add3A_520 = arith.addf %sub3A_517, %add3A_519 : vector<157x128xf32>
      %max3A_521 = arith.constant 0.000000e+00 : f32
      %max3A_522 = vector.broadcast %max3A_521 : f32 to vector<157x128xf32>
      %max3A_523 = arith.maximumf %add3A_520, %max3A_522 : vector<157x128xf32>
      %min3A_524 = vector.broadcast %get3A_512 : f32 to vector<157x128xf32>
      %min3A_525 = arith.minimumf %get3A_18, %min3A_524 : vector<157x128xf32>
      %max3A_526 = vector.broadcast %get3A_500 : f32 to vector<157x128xf32>
      %max3A_527 = arith.maximumf %get3A_8, %max3A_526 : vector<157x128xf32>
      %sub3A_528 = arith.subf %min3A_525, %max3A_527 : vector<157x128xf32>
      %add3A_529 = arith.constant 1.000000e+00 : f32
      %add3A_530 = vector.broadcast %add3A_529 : f32 to vector<157x128xf32>
      %add3A_531 = arith.addf %sub3A_528, %add3A_530 : vector<157x128xf32>
      %max3A_532 = arith.constant 0.000000e+00 : f32
      %max3A_533 = vector.broadcast %max3A_532 : f32 to vector<157x128xf32>
      %max3A_534 = arith.maximumf %add3A_531, %max3A_533 : vector<157x128xf32>
      %mul3A_535 = arith.mulf %max3A_523, %max3A_534 : vector<157x128xf32>
      %sub3A_536 = arith.subf %get3A_506, %get3A_494 : f32
      %add3A_537 = arith.constant 1.000000e+00 : f32
      %add3A_538 = arith.addf %sub3A_536, %add3A_537 : f32
      %sub3A_539 = arith.subf %get3A_512, %get3A_500 : f32
      %add3A_540 = arith.constant 1.000000e+00 : f32
      %add3A_541 = arith.addf %sub3A_539, %add3A_540 : f32
      %mul3A_542 = arith.mulf %add3A_538, %add3A_541 : f32
      %add3A_543 = vector.broadcast %mul3A_542 : f32 to vector<157x128xf32>
      %add3A_544 = arith.addf %mul3A, %add3A_543 : vector<157x128xf32>
      %sub3A_545 = arith.subf %add3A_544, %mul3A_535 : vector<157x128xf32>
      %div3A_546 = arith.divf %mul3A_535, %sub3A_545 : vector<157x128xf32>
      %gt3A_547 = arith.cmpf ogt, %div3A_546, %select_n3A_485 : vector<157x128xf32>
      %select_n3A_548 = arith.select %gt3A_547, %div3A_546, %select_n3A_485 : vector<157x128xi1>, vector<157x128xf32>
      %convert_element_type3A_549 = arith.sitofp %scan3A_490 : i32 to f32
      %broadcast_in_dim3A_550 = vector.broadcast %convert_element_type3A_549 : f32 to vector<157x128xf32>
      %select_n3A_551 = arith.select %gt3A_547, %broadcast_in_dim3A_550, %select_n3A_488 : vector<157x128xi1>, vector<157x128xf32>
      %scan3A_552 = arith.constant 5 : i32
      %scan3A_553 = arith.addi %scan3A_237, %scan3A_552 : i32
      %get3A_554 = arith.constant 0 : index
      %get3A_555 = arith.constant 0 : index
      %get3A_556 = arith.index_cast %scan3A_553 : i32 to index
      %get3A_557 = memref.load %arg1[%get3A_554, %get3A_555, %get3A_556] : memref<1x1x320xf32, #tpu.memory_space<smem>>
      %add3A_558 = arith.constant 64 : i32
      %add3A_559 = arith.addi %add3A_558, %scan3A_553 : i32
      %get3A_560 = arith.constant 0 : index
      %get3A_561 = arith.constant 0 : index
      %get3A_562 = arith.index_cast %add3A_559 : i32 to index
      %get3A_563 = memref.load %arg1[%get3A_560, %get3A_561, %get3A_562] : memref<1x1x320xf32, #tpu.memory_space<smem>>
      %add3A_564 = arith.constant 128 : i32
      %add3A_565 = arith.addi %add3A_564, %scan3A_553 : i32
      %get3A_566 = arith.constant 0 : index
      %get3A_567 = arith.constant 0 : index
      %get3A_568 = arith.index_cast %add3A_565 : i32 to index
      %get3A_569 = memref.load %arg1[%get3A_566, %get3A_567, %get3A_568] : memref<1x1x320xf32, #tpu.memory_space<smem>>
      %add3A_570 = arith.constant 192 : i32
      %add3A_571 = arith.addi %add3A_570, %scan3A_553 : i32
      %get3A_572 = arith.constant 0 : index
      %get3A_573 = arith.constant 0 : index
      %get3A_574 = arith.index_cast %add3A_571 : i32 to index
      %get3A_575 = memref.load %arg1[%get3A_572, %get3A_573, %get3A_574] : memref<1x1x320xf32, #tpu.memory_space<smem>>
      %min3A_576 = vector.broadcast %get3A_569 : f32 to vector<157x128xf32>
      %min3A_577 = arith.minimumf %get3A_13, %min3A_576 : vector<157x128xf32>
      %max3A_578 = vector.broadcast %get3A_557 : f32 to vector<157x128xf32>
      %max3A_579 = arith.maximumf %get3A_3, %max3A_578 : vector<157x128xf32>
      %sub3A_580 = arith.subf %min3A_577, %max3A_579 : vector<157x128xf32>
      %add3A_581 = arith.constant 1.000000e+00 : f32
      %add3A_582 = vector.broadcast %add3A_581 : f32 to vector<157x128xf32>
      %add3A_583 = arith.addf %sub3A_580, %add3A_582 : vector<157x128xf32>
      %max3A_584 = arith.constant 0.000000e+00 : f32
      %max3A_585 = vector.broadcast %max3A_584 : f32 to vector<157x128xf32>
      %max3A_586 = arith.maximumf %add3A_583, %max3A_585 : vector<157x128xf32>
      %min3A_587 = vector.broadcast %get3A_575 : f32 to vector<157x128xf32>
      %min3A_588 = arith.minimumf %get3A_18, %min3A_587 : vector<157x128xf32>
      %max3A_589 = vector.broadcast %get3A_563 : f32 to vector<157x128xf32>
      %max3A_590 = arith.maximumf %get3A_8, %max3A_589 : vector<157x128xf32>
      %sub3A_591 = arith.subf %min3A_588, %max3A_590 : vector<157x128xf32>
      %add3A_592 = arith.constant 1.000000e+00 : f32
      %add3A_593 = vector.broadcast %add3A_592 : f32 to vector<157x128xf32>
      %add3A_594 = arith.addf %sub3A_591, %add3A_593 : vector<157x128xf32>
      %max3A_595 = arith.constant 0.000000e+00 : f32
      %max3A_596 = vector.broadcast %max3A_595 : f32 to vector<157x128xf32>
      %max3A_597 = arith.maximumf %add3A_594, %max3A_596 : vector<157x128xf32>
      %mul3A_598 = arith.mulf %max3A_586, %max3A_597 : vector<157x128xf32>
      %sub3A_599 = arith.subf %get3A_569, %get3A_557 : f32
      %add3A_600 = arith.constant 1.000000e+00 : f32
      %add3A_601 = arith.addf %sub3A_599, %add3A_600 : f32
      %sub3A_602 = arith.subf %get3A_575, %get3A_563 : f32
      %add3A_603 = arith.constant 1.000000e+00 : f32
      %add3A_604 = arith.addf %sub3A_602, %add3A_603 : f32
      %mul3A_605 = arith.mulf %add3A_601, %add3A_604 : f32
      %add3A_606 = vector.broadcast %mul3A_605 : f32 to vector<157x128xf32>
      %add3A_607 = arith.addf %mul3A, %add3A_606 : vector<157x128xf32>
      %sub3A_608 = arith.subf %add3A_607, %mul3A_598 : vector<157x128xf32>
      %div3A_609 = arith.divf %mul3A_598, %sub3A_608 : vector<157x128xf32>
      %gt3A_610 = arith.cmpf ogt, %div3A_609, %select_n3A_548 : vector<157x128xf32>
      %select_n3A_611 = arith.select %gt3A_610, %div3A_609, %select_n3A_548 : vector<157x128xi1>, vector<157x128xf32>
      %convert_element_type3A_612 = arith.sitofp %scan3A_553 : i32 to f32
      %broadcast_in_dim3A_613 = vector.broadcast %convert_element_type3A_612 : f32 to vector<157x128xf32>
      %select_n3A_614 = arith.select %gt3A_610, %broadcast_in_dim3A_613, %select_n3A_551 : vector<157x128xi1>, vector<157x128xf32>
      %scan3A_615 = arith.constant 6 : i32
      %scan3A_616 = arith.addi %scan3A_237, %scan3A_615 : i32
      %get3A_617 = arith.constant 0 : index
      %get3A_618 = arith.constant 0 : index
      %get3A_619 = arith.index_cast %scan3A_616 : i32 to index
      %get3A_620 = memref.load %arg1[%get3A_617, %get3A_618, %get3A_619] : memref<1x1x320xf32, #tpu.memory_space<smem>>
      %add3A_621 = arith.constant 64 : i32
      %add3A_622 = arith.addi %add3A_621, %scan3A_616 : i32
      %get3A_623 = arith.constant 0 : index
      %get3A_624 = arith.constant 0 : index
      %get3A_625 = arith.index_cast %add3A_622 : i32 to index
      %get3A_626 = memref.load %arg1[%get3A_623, %get3A_624, %get3A_625] : memref<1x1x320xf32, #tpu.memory_space<smem>>
      %add3A_627 = arith.constant 128 : i32
      %add3A_628 = arith.addi %add3A_627, %scan3A_616 : i32
      %get3A_629 = arith.constant 0 : index
      %get3A_630 = arith.constant 0 : index
      %get3A_631 = arith.index_cast %add3A_628 : i32 to index
      %get3A_632 = memref.load %arg1[%get3A_629, %get3A_630, %get3A_631] : memref<1x1x320xf32, #tpu.memory_space<smem>>
      %add3A_633 = arith.constant 192 : i32
      %add3A_634 = arith.addi %add3A_633, %scan3A_616 : i32
      %get3A_635 = arith.constant 0 : index
      %get3A_636 = arith.constant 0 : index
      %get3A_637 = arith.index_cast %add3A_634 : i32 to index
      %get3A_638 = memref.load %arg1[%get3A_635, %get3A_636, %get3A_637] : memref<1x1x320xf32, #tpu.memory_space<smem>>
      %min3A_639 = vector.broadcast %get3A_632 : f32 to vector<157x128xf32>
      %min3A_640 = arith.minimumf %get3A_13, %min3A_639 : vector<157x128xf32>
      %max3A_641 = vector.broadcast %get3A_620 : f32 to vector<157x128xf32>
      %max3A_642 = arith.maximumf %get3A_3, %max3A_641 : vector<157x128xf32>
      %sub3A_643 = arith.subf %min3A_640, %max3A_642 : vector<157x128xf32>
      %add3A_644 = arith.constant 1.000000e+00 : f32
      %add3A_645 = vector.broadcast %add3A_644 : f32 to vector<157x128xf32>
      %add3A_646 = arith.addf %sub3A_643, %add3A_645 : vector<157x128xf32>
      %max3A_647 = arith.constant 0.000000e+00 : f32
      %max3A_648 = vector.broadcast %max3A_647 : f32 to vector<157x128xf32>
      %max3A_649 = arith.maximumf %add3A_646, %max3A_648 : vector<157x128xf32>
      %min3A_650 = vector.broadcast %get3A_638 : f32 to vector<157x128xf32>
      %min3A_651 = arith.minimumf %get3A_18, %min3A_650 : vector<157x128xf32>
      %max3A_652 = vector.broadcast %get3A_626 : f32 to vector<157x128xf32>
      %max3A_653 = arith.maximumf %get3A_8, %max3A_652 : vector<157x128xf32>
      %sub3A_654 = arith.subf %min3A_651, %max3A_653 : vector<157x128xf32>
      %add3A_655 = arith.constant 1.000000e+00 : f32
      %add3A_656 = vector.broadcast %add3A_655 : f32 to vector<157x128xf32>
      %add3A_657 = arith.addf %sub3A_654, %add3A_656 : vector<157x128xf32>
      %max3A_658 = arith.constant 0.000000e+00 : f32
      %max3A_659 = vector.broadcast %max3A_658 : f32 to vector<157x128xf32>
      %max3A_660 = arith.maximumf %add3A_657, %max3A_659 : vector<157x128xf32>
      %mul3A_661 = arith.mulf %max3A_649, %max3A_660 : vector<157x128xf32>
      %sub3A_662 = arith.subf %get3A_632, %get3A_620 : f32
      %add3A_663 = arith.constant 1.000000e+00 : f32
      %add3A_664 = arith.addf %sub3A_662, %add3A_663 : f32
      %sub3A_665 = arith.subf %get3A_638, %get3A_626 : f32
      %add3A_666 = arith.constant 1.000000e+00 : f32
      %add3A_667 = arith.addf %sub3A_665, %add3A_666 : f32
      %mul3A_668 = arith.mulf %add3A_664, %add3A_667 : f32
      %add3A_669 = vector.broadcast %mul3A_668 : f32 to vector<157x128xf32>
      %add3A_670 = arith.addf %mul3A, %add3A_669 : vector<157x128xf32>
      %sub3A_671 = arith.subf %add3A_670, %mul3A_661 : vector<157x128xf32>
      %div3A_672 = arith.divf %mul3A_661, %sub3A_671 : vector<157x128xf32>
      %gt3A_673 = arith.cmpf ogt, %div3A_672, %select_n3A_611 : vector<157x128xf32>
      %select_n3A_674 = arith.select %gt3A_673, %div3A_672, %select_n3A_611 : vector<157x128xi1>, vector<157x128xf32>
      %convert_element_type3A_675 = arith.sitofp %scan3A_616 : i32 to f32
      %broadcast_in_dim3A_676 = vector.broadcast %convert_element_type3A_675 : f32 to vector<157x128xf32>
      %select_n3A_677 = arith.select %gt3A_673, %broadcast_in_dim3A_676, %select_n3A_614 : vector<157x128xi1>, vector<157x128xf32>
      %scan3A_678 = arith.constant 7 : i32
      %scan3A_679 = arith.addi %scan3A_237, %scan3A_678 : i32
      %get3A_680 = arith.constant 0 : index
      %get3A_681 = arith.constant 0 : index
      %get3A_682 = arith.index_cast %scan3A_679 : i32 to index
      %get3A_683 = memref.load %arg1[%get3A_680, %get3A_681, %get3A_682] : memref<1x1x320xf32, #tpu.memory_space<smem>>
      %add3A_684 = arith.constant 64 : i32
      %add3A_685 = arith.addi %add3A_684, %scan3A_679 : i32
      %get3A_686 = arith.constant 0 : index
      %get3A_687 = arith.constant 0 : index
      %get3A_688 = arith.index_cast %add3A_685 : i32 to index
      %get3A_689 = memref.load %arg1[%get3A_686, %get3A_687, %get3A_688] : memref<1x1x320xf32, #tpu.memory_space<smem>>
      %add3A_690 = arith.constant 128 : i32
      %add3A_691 = arith.addi %add3A_690, %scan3A_679 : i32
      %get3A_692 = arith.constant 0 : index
      %get3A_693 = arith.constant 0 : index
      %get3A_694 = arith.index_cast %add3A_691 : i32 to index
      %get3A_695 = memref.load %arg1[%get3A_692, %get3A_693, %get3A_694] : memref<1x1x320xf32, #tpu.memory_space<smem>>
      %add3A_696 = arith.constant 192 : i32
      %add3A_697 = arith.addi %add3A_696, %scan3A_679 : i32
      %get3A_698 = arith.constant 0 : index
      %get3A_699 = arith.constant 0 : index
      %get3A_700 = arith.index_cast %add3A_697 : i32 to index
      %get3A_701 = memref.load %arg1[%get3A_698, %get3A_699, %get3A_700] : memref<1x1x320xf32, #tpu.memory_space<smem>>
      %min3A_702 = vector.broadcast %get3A_695 : f32 to vector<157x128xf32>
      %min3A_703 = arith.minimumf %get3A_13, %min3A_702 : vector<157x128xf32>
      %max3A_704 = vector.broadcast %get3A_683 : f32 to vector<157x128xf32>
      %max3A_705 = arith.maximumf %get3A_3, %max3A_704 : vector<157x128xf32>
      %sub3A_706 = arith.subf %min3A_703, %max3A_705 : vector<157x128xf32>
      %add3A_707 = arith.constant 1.000000e+00 : f32
      %add3A_708 = vector.broadcast %add3A_707 : f32 to vector<157x128xf32>
      %add3A_709 = arith.addf %sub3A_706, %add3A_708 : vector<157x128xf32>
      %max3A_710 = arith.constant 0.000000e+00 : f32
      %max3A_711 = vector.broadcast %max3A_710 : f32 to vector<157x128xf32>
      %max3A_712 = arith.maximumf %add3A_709, %max3A_711 : vector<157x128xf32>
      %min3A_713 = vector.broadcast %get3A_701 : f32 to vector<157x128xf32>
      %min3A_714 = arith.minimumf %get3A_18, %min3A_713 : vector<157x128xf32>
      %max3A_715 = vector.broadcast %get3A_689 : f32 to vector<157x128xf32>
      %max3A_716 = arith.maximumf %get3A_8, %max3A_715 : vector<157x128xf32>
      %sub3A_717 = arith.subf %min3A_714, %max3A_716 : vector<157x128xf32>
      %add3A_718 = arith.constant 1.000000e+00 : f32
      %add3A_719 = vector.broadcast %add3A_718 : f32 to vector<157x128xf32>
      %add3A_720 = arith.addf %sub3A_717, %add3A_719 : vector<157x128xf32>
      %max3A_721 = arith.constant 0.000000e+00 : f32
      %max3A_722 = vector.broadcast %max3A_721 : f32 to vector<157x128xf32>
      %max3A_723 = arith.maximumf %add3A_720, %max3A_722 : vector<157x128xf32>
      %mul3A_724 = arith.mulf %max3A_712, %max3A_723 : vector<157x128xf32>
      %sub3A_725 = arith.subf %get3A_695, %get3A_683 : f32
      %add3A_726 = arith.constant 1.000000e+00 : f32
      %add3A_727 = arith.addf %sub3A_725, %add3A_726 : f32
      %sub3A_728 = arith.subf %get3A_701, %get3A_689 : f32
      %add3A_729 = arith.constant 1.000000e+00 : f32
      %add3A_730 = arith.addf %sub3A_728, %add3A_729 : f32
      %mul3A_731 = arith.mulf %add3A_727, %add3A_730 : f32
      %add3A_732 = vector.broadcast %mul3A_731 : f32 to vector<157x128xf32>
      %add3A_733 = arith.addf %mul3A, %add3A_732 : vector<157x128xf32>
      %sub3A_734 = arith.subf %add3A_733, %mul3A_724 : vector<157x128xf32>
      %div3A_735 = arith.divf %mul3A_724, %sub3A_734 : vector<157x128xf32>
      %gt3A_736 = arith.cmpf ogt, %div3A_735, %select_n3A_674 : vector<157x128xf32>
      %select_n3A_737 = arith.select %gt3A_736, %div3A_735, %select_n3A_674 : vector<157x128xi1>, vector<157x128xf32>
      %convert_element_type3A_738 = arith.sitofp %scan3A_679 : i32 to f32
      %broadcast_in_dim3A_739 = vector.broadcast %convert_element_type3A_738 : f32 to vector<157x128xf32>
      %select_n3A_740 = arith.select %gt3A_736, %broadcast_in_dim3A_739, %select_n3A_677 : vector<157x128xi1>, vector<157x128xf32>
      %scan3A_741 = arith.constant 8 : i32
      %scan3A_742 = arith.addi %scan3A_237, %scan3A_741 : i32
      %get3A_743 = arith.constant 0 : index
      %get3A_744 = arith.constant 0 : index
      %get3A_745 = arith.index_cast %scan3A_742 : i32 to index
      %get3A_746 = memref.load %arg1[%get3A_743, %get3A_744, %get3A_745] : memref<1x1x320xf32, #tpu.memory_space<smem>>
      %add3A_747 = arith.constant 64 : i32
      %add3A_748 = arith.addi %add3A_747, %scan3A_742 : i32
      %get3A_749 = arith.constant 0 : index
      %get3A_750 = arith.constant 0 : index
      %get3A_751 = arith.index_cast %add3A_748 : i32 to index
      %get3A_752 = memref.load %arg1[%get3A_749, %get3A_750, %get3A_751] : memref<1x1x320xf32, #tpu.memory_space<smem>>
      %add3A_753 = arith.constant 128 : i32
      %add3A_754 = arith.addi %add3A_753, %scan3A_742 : i32
      %get3A_755 = arith.constant 0 : index
      %get3A_756 = arith.constant 0 : index
      %get3A_757 = arith.index_cast %add3A_754 : i32 to index
      %get3A_758 = memref.load %arg1[%get3A_755, %get3A_756, %get3A_757] : memref<1x1x320xf32, #tpu.memory_space<smem>>
      %add3A_759 = arith.constant 192 : i32
      %add3A_760 = arith.addi %add3A_759, %scan3A_742 : i32
      %get3A_761 = arith.constant 0 : index
      %get3A_762 = arith.constant 0 : index
      %get3A_763 = arith.index_cast %add3A_760 : i32 to index
      %get3A_764 = memref.load %arg1[%get3A_761, %get3A_762, %get3A_763] : memref<1x1x320xf32, #tpu.memory_space<smem>>
      %min3A_765 = vector.broadcast %get3A_758 : f32 to vector<157x128xf32>
      %min3A_766 = arith.minimumf %get3A_13, %min3A_765 : vector<157x128xf32>
      %max3A_767 = vector.broadcast %get3A_746 : f32 to vector<157x128xf32>
      %max3A_768 = arith.maximumf %get3A_3, %max3A_767 : vector<157x128xf32>
      %sub3A_769 = arith.subf %min3A_766, %max3A_768 : vector<157x128xf32>
      %add3A_770 = arith.constant 1.000000e+00 : f32
      %add3A_771 = vector.broadcast %add3A_770 : f32 to vector<157x128xf32>
      %add3A_772 = arith.addf %sub3A_769, %add3A_771 : vector<157x128xf32>
      %max3A_773 = arith.constant 0.000000e+00 : f32
      %max3A_774 = vector.broadcast %max3A_773 : f32 to vector<157x128xf32>
      %max3A_775 = arith.maximumf %add3A_772, %max3A_774 : vector<157x128xf32>
      %min3A_776 = vector.broadcast %get3A_764 : f32 to vector<157x128xf32>
      %min3A_777 = arith.minimumf %get3A_18, %min3A_776 : vector<157x128xf32>
      %max3A_778 = vector.broadcast %get3A_752 : f32 to vector<157x128xf32>
      %max3A_779 = arith.maximumf %get3A_8, %max3A_778 : vector<157x128xf32>
      %sub3A_780 = arith.subf %min3A_777, %max3A_779 : vector<157x128xf32>
      %add3A_781 = arith.constant 1.000000e+00 : f32
      %add3A_782 = vector.broadcast %add3A_781 : f32 to vector<157x128xf32>
      %add3A_783 = arith.addf %sub3A_780, %add3A_782 : vector<157x128xf32>
      %max3A_784 = arith.constant 0.000000e+00 : f32
      %max3A_785 = vector.broadcast %max3A_784 : f32 to vector<157x128xf32>
      %max3A_786 = arith.maximumf %add3A_783, %max3A_785 : vector<157x128xf32>
      %mul3A_787 = arith.mulf %max3A_775, %max3A_786 : vector<157x128xf32>
      %sub3A_788 = arith.subf %get3A_758, %get3A_746 : f32
      %add3A_789 = arith.constant 1.000000e+00 : f32
      %add3A_790 = arith.addf %sub3A_788, %add3A_789 : f32
      %sub3A_791 = arith.subf %get3A_764, %get3A_752 : f32
      %add3A_792 = arith.constant 1.000000e+00 : f32
      %add3A_793 = arith.addf %sub3A_791, %add3A_792 : f32
      %mul3A_794 = arith.mulf %add3A_790, %add3A_793 : f32
      %add3A_795 = vector.broadcast %mul3A_794 : f32 to vector<157x128xf32>
      %add3A_796 = arith.addf %mul3A, %add3A_795 : vector<157x128xf32>
      %sub3A_797 = arith.subf %add3A_796, %mul3A_787 : vector<157x128xf32>
      %div3A_798 = arith.divf %mul3A_787, %sub3A_797 : vector<157x128xf32>
      %gt3A_799 = arith.cmpf ogt, %div3A_798, %select_n3A_737 : vector<157x128xf32>
      %select_n3A_800 = arith.select %gt3A_799, %div3A_798, %select_n3A_737 : vector<157x128xi1>, vector<157x128xf32>
      %convert_element_type3A_801 = arith.sitofp %scan3A_742 : i32 to f32
      %broadcast_in_dim3A_802 = vector.broadcast %convert_element_type3A_801 : f32 to vector<157x128xf32>
      %select_n3A_803 = arith.select %gt3A_799, %broadcast_in_dim3A_802, %select_n3A_740 : vector<157x128xi1>, vector<157x128xf32>
      %scan3A_804 = arith.constant 9 : i32
      %scan3A_805 = arith.addi %scan3A_237, %scan3A_804 : i32
      %get3A_806 = arith.constant 0 : index
      %get3A_807 = arith.constant 0 : index
      %get3A_808 = arith.index_cast %scan3A_805 : i32 to index
      %get3A_809 = memref.load %arg1[%get3A_806, %get3A_807, %get3A_808] : memref<1x1x320xf32, #tpu.memory_space<smem>>
      %add3A_810 = arith.constant 64 : i32
      %add3A_811 = arith.addi %add3A_810, %scan3A_805 : i32
      %get3A_812 = arith.constant 0 : index
      %get3A_813 = arith.constant 0 : index
      %get3A_814 = arith.index_cast %add3A_811 : i32 to index
      %get3A_815 = memref.load %arg1[%get3A_812, %get3A_813, %get3A_814] : memref<1x1x320xf32, #tpu.memory_space<smem>>
      %add3A_816 = arith.constant 128 : i32
      %add3A_817 = arith.addi %add3A_816, %scan3A_805 : i32
      %get3A_818 = arith.constant 0 : index
      %get3A_819 = arith.constant 0 : index
      %get3A_820 = arith.index_cast %add3A_817 : i32 to index
      %get3A_821 = memref.load %arg1[%get3A_818, %get3A_819, %get3A_820] : memref<1x1x320xf32, #tpu.memory_space<smem>>
      %add3A_822 = arith.constant 192 : i32
      %add3A_823 = arith.addi %add3A_822, %scan3A_805 : i32
      %get3A_824 = arith.constant 0 : index
      %get3A_825 = arith.constant 0 : index
      %get3A_826 = arith.index_cast %add3A_823 : i32 to index
      %get3A_827 = memref.load %arg1[%get3A_824, %get3A_825, %get3A_826] : memref<1x1x320xf32, #tpu.memory_space<smem>>
      %min3A_828 = vector.broadcast %get3A_821 : f32 to vector<157x128xf32>
      %min3A_829 = arith.minimumf %get3A_13, %min3A_828 : vector<157x128xf32>
      %max3A_830 = vector.broadcast %get3A_809 : f32 to vector<157x128xf32>
      %max3A_831 = arith.maximumf %get3A_3, %max3A_830 : vector<157x128xf32>
      %sub3A_832 = arith.subf %min3A_829, %max3A_831 : vector<157x128xf32>
      %add3A_833 = arith.constant 1.000000e+00 : f32
      %add3A_834 = vector.broadcast %add3A_833 : f32 to vector<157x128xf32>
      %add3A_835 = arith.addf %sub3A_832, %add3A_834 : vector<157x128xf32>
      %max3A_836 = arith.constant 0.000000e+00 : f32
      %max3A_837 = vector.broadcast %max3A_836 : f32 to vector<157x128xf32>
      %max3A_838 = arith.maximumf %add3A_835, %max3A_837 : vector<157x128xf32>
      %min3A_839 = vector.broadcast %get3A_827 : f32 to vector<157x128xf32>
      %min3A_840 = arith.minimumf %get3A_18, %min3A_839 : vector<157x128xf32>
      %max3A_841 = vector.broadcast %get3A_815 : f32 to vector<157x128xf32>
      %max3A_842 = arith.maximumf %get3A_8, %max3A_841 : vector<157x128xf32>
      %sub3A_843 = arith.subf %min3A_840, %max3A_842 : vector<157x128xf32>
      %add3A_844 = arith.constant 1.000000e+00 : f32
      %add3A_845 = vector.broadcast %add3A_844 : f32 to vector<157x128xf32>
      %add3A_846 = arith.addf %sub3A_843, %add3A_845 : vector<157x128xf32>
      %max3A_847 = arith.constant 0.000000e+00 : f32
      %max3A_848 = vector.broadcast %max3A_847 : f32 to vector<157x128xf32>
      %max3A_849 = arith.maximumf %add3A_846, %max3A_848 : vector<157x128xf32>
      %mul3A_850 = arith.mulf %max3A_838, %max3A_849 : vector<157x128xf32>
      %sub3A_851 = arith.subf %get3A_821, %get3A_809 : f32
      %add3A_852 = arith.constant 1.000000e+00 : f32
      %add3A_853 = arith.addf %sub3A_851, %add3A_852 : f32
      %sub3A_854 = arith.subf %get3A_827, %get3A_815 : f32
      %add3A_855 = arith.constant 1.000000e+00 : f32
      %add3A_856 = arith.addf %sub3A_854, %add3A_855 : f32
      %mul3A_857 = arith.mulf %add3A_853, %add3A_856 : f32
      %add3A_858 = vector.broadcast %mul3A_857 : f32 to vector<157x128xf32>
      %add3A_859 = arith.addf %mul3A, %add3A_858 : vector<157x128xf32>
      %sub3A_860 = arith.subf %add3A_859, %mul3A_850 : vector<157x128xf32>
      %div3A_861 = arith.divf %mul3A_850, %sub3A_860 : vector<157x128xf32>
      %gt3A_862 = arith.cmpf ogt, %div3A_861, %select_n3A_800 : vector<157x128xf32>
      %select_n3A_863 = arith.select %gt3A_862, %div3A_861, %select_n3A_800 : vector<157x128xi1>, vector<157x128xf32>
      %convert_element_type3A_864 = arith.sitofp %scan3A_805 : i32 to f32
      %broadcast_in_dim3A_865 = vector.broadcast %convert_element_type3A_864 : f32 to vector<157x128xf32>
      %select_n3A_866 = arith.select %gt3A_862, %broadcast_in_dim3A_865, %select_n3A_803 : vector<157x128xi1>, vector<157x128xf32>
      scf.yield %select_n3A_863, %select_n3A_866 : vector<157x128xf32>, vector<157x128xf32>
    }
    %scan3A_32 = arith.constant 50 : i32
    %swap3A = arith.constant 0 : index
    %swap3A_33 = arith.constant 0 : index
    %swap3A_34 = arith.constant 0 : index
    %swap3A_35 = vector.load %arg8[%swap3A, %swap3A_33, %swap3A_34] : memref<1x157x128xf32, #tpu.memory_space<vmem>>, vector<1x157x128xf32>
    %swap3A_36 = vector.shape_cast %swap3A_35 : vector<1x157x128xf32> to vector<157x128xf32>
    %swap3A_37 = vector.shape_cast %scan3A_31#1 : vector<157x128xf32> to vector<1x157x128xf32>
    tpu.vector_store %arg8[%swap3A, %swap3A_33, %swap3A_34], %swap3A_37 {strides = array<i32>} : memref<1x157x128xf32, #tpu.memory_space<vmem>>, vector<1x157x128xf32>,
    %iota3A = tpu.iota {dimensions = array<i32: 0>} : vector<157x128xi32>
    %iota3A_38 = tpu.iota {dimensions = array<i32: 1>} : vector<157x128xi32>
    %mul3A_39 = arith.constant 128 : i32
    %mul3A_40 = vector.broadcast %mul3A_39 : i32 to vector<157x128xi32>
    %mul3A_41 = arith.muli %iota3A, %mul3A_40 : vector<157x128xi32>
    %add3A_42 = arith.addi %mul3A_41, %iota3A_38 : vector<157x128xi32>
    %lt3A = arith.constant 20050 : i32
    %lt3A_43 = vector.broadcast %lt3A : i32 to vector<157x128xi32>
    %lt3A_44 = arith.cmpi slt, %add3A_42, %lt3A_43 : vector<157x128xi32>
    %ge3A = arith.constant 5.000000e-01 : f32
    %ge3A_45 = vector.broadcast %ge3A : f32 to vector<157x128xf32>
    %ge3A_46 = arith.cmpf oge, %scan3A_31#0, %ge3A_45 : vector<157x128xf32>
    %and3A = arith.andi %ge3A_46, %lt3A_44 : vector<157x128xi1>
    %lt3A_47 = arith.constant 5.000000e-01 : f32
    %lt3A_48 = vector.broadcast %lt3A_47 : f32 to vector<157x128xf32>
    %lt3A_49 = arith.cmpf olt, %scan3A_31#0, %lt3A_48 : vector<157x128xf32>
    %ge3A_50 = arith.constant 0.000000e+00 : f32
    %ge3A_51 = vector.broadcast %ge3A_50 : f32 to vector<157x128xf32>
    %ge3A_52 = arith.cmpf oge, %scan3A_31#0, %ge3A_51 : vector<157x128xf32>
    %and3A_53 = arith.andi %lt3A_49, %ge3A_52 : vector<157x128xi1>
    %and3A_54 = arith.andi %and3A_53, %lt3A_44 : vector<157x128xi1>
    %convert_element_type3A = arith.extui %and3A : vector<157x128xi1> to vector<157x128xi32>
    %convert_element_type3A_55 = arith.sitofp %convert_element_type3A : vector<157x128xi32> to vector<157x128xf32>
    %convert_element_type3A_56 = arith.extui %and3A_54 : vector<157x128xi1> to vector<157x128xi32>
    %convert_element_type3A_57 = arith.sitofp %convert_element_type3A_56 : vector<157x128xi32> to vector<157x128xf32>
    %iota3A_58 = tpu.iota {dimensions = array<i32: 0>} : vector<128x128xi32>
    %iota3A_59 = tpu.iota {dimensions = array<i32: 1>} : vector<128x128xi32>
    %le3A = arith.cmpi sle, %iota3A_58, %iota3A_59 : vector<128x128xi32>
    %convert_element_type3A_60 = arith.extui %le3A : vector<128x128xi1> to vector<128x128xi32>
    %convert_element_type3A_61 = arith.sitofp %convert_element_type3A_60 : vector<128x128xi32> to vector<128x128xf32>
    %iota3A_62 = tpu.iota {dimensions = array<i32: 0>} : vector<157x157xi32>
    %iota3A_63 = tpu.iota {dimensions = array<i32: 1>} : vector<157x157xi32>
    %lt3A_64 = arith.cmpi slt, %iota3A_63, %iota3A_62 : vector<157x157xi32>
    %convert_element_type3A_65 = arith.extui %lt3A_64 : vector<157x157xi1> to vector<157x157xi32>
    %convert_element_type3A_66 = arith.sitofp %convert_element_type3A_65 : vector<157x157xi32> to vector<157x157xf32>
    %dot_general3A = arith.constant dense<0.000000e+00> : vector<157x128xf32>
    %dot_general3A_67 = tpu.matmul %convert_element_type3A_55, %convert_element_type3A_61, %dot_general3A {dimension_numbers = #tpu.dot_dimension_numbers<[1], [0], [0], [1], [0, 0, 1, 1], [], []>, transpose_lhs_hint = false} : vector<157x128xf32>, vector<128x128xf32>, vector<157x128xf32> -> vector<157x128xf32>
    %slice3A = vector.extract_strided_slice %dot_general3A_67 {offsets = [0, 127], sizes = [157, 1], strides = [1, 1]} : vector<157x128xf32> to vector<157x1xf32>
    %dot_general3A_68 = arith.constant dense<0.000000e+00> : vector<157x1xf32>
    %dot_general3A_69 = tpu.matmul %convert_element_type3A_66, %slice3A, %dot_general3A_68 {dimension_numbers = #tpu.dot_dimension_numbers<[1], [0], [0], [1], [0, 0, 1, 1], [], []>, transpose_lhs_hint = false} : vector<157x157xf32>, vector<157x1xf32>, vector<157x1xf32> -> vector<157x1xf32>
    %add3A_70 = vector.broadcast %dot_general3A_69 : vector<157x1xf32> to vector<157x128xf32>
    %add3A_71 = arith.addf %dot_general3A_67, %add3A_70 : vector<157x128xf32>
    %sub3A_72 = arith.constant 1.000000e+00 : f32
    %sub3A_73 = vector.broadcast %sub3A_72 : f32 to vector<157x128xf32>
    %sub3A_74 = arith.subf %add3A_71, %sub3A_73 : vector<157x128xf32>
    %dot_general3A_75 = arith.constant dense<0.000000e+00> : vector<157x128xf32>
    %dot_general3A_76 = tpu.matmul %convert_element_type3A_57, %convert_element_type3A_61, %dot_general3A_75 {dimension_numbers = #tpu.dot_dimension_numbers<[1], [0], [0], [1], [0, 0, 1, 1], [], []>, transpose_lhs_hint = false} : vector<157x128xf32>, vector<128x128xf32>, vector<157x128xf32> -> vector<157x128xf32>
    %slice3A_77 = vector.extract_strided_slice %dot_general3A_76 {offsets = [0, 127], sizes = [157, 1], strides = [1, 1]} : vector<157x128xf32> to vector<157x1xf32>
    %dot_general3A_78 = arith.constant dense<0.000000e+00> : vector<157x1xf32>
    %dot_general3A_79 = tpu.matmul %convert_element_type3A_66, %slice3A_77, %dot_general3A_78 {dimension_numbers = #tpu.dot_dimension_numbers<[1], [0], [0], [1], [0, 0, 1, 1], [], []>, transpose_lhs_hint = false} : vector<157x157xf32>, vector<157x1xf32>, vector<157x1xf32> -> vector<157x1xf32>
    %add3A_80 = vector.broadcast %dot_general3A_79 : vector<157x1xf32> to vector<157x128xf32>
    %add3A_81 = arith.addf %dot_general3A_76, %add3A_80 : vector<157x128xf32>
    %sub3A_82 = arith.constant 1.000000e+00 : f32
    %sub3A_83 = vector.broadcast %sub3A_82 : f32 to vector<157x128xf32>
    %sub3A_84 = arith.subf %add3A_81, %sub3A_83 : vector<157x128xf32>
    %reduce_sum3A = vector.shape_cast %convert_element_type3A_55 : vector<157x128xf32> to vector<1x157x128xf32>
    %reduce_sum3A_85 = arith.constant dense<0.000000e+00> : vector<1xf32>
    %reduce_sum3A_86 = vector.multi_reduction <add>, %reduce_sum3A, %reduce_sum3A_85 [1, 2] : vector<1x157x128xf32> to vector<1xf32>
    %reduce_sum3A_87 = vector.shape_cast %reduce_sum3A_86 : vector<1xf32> to vector<1x1x1xf32>
    %reduce_sum3A_88 = vector.extract %reduce_sum3A_87[0, 0, 0] : f32 from vector<1x1x1xf32>
    %convert_element_type3A_89 = arith.fptosi %reduce_sum3A_88 : f32 to i32
    %reduce_sum3A_90 = vector.shape_cast %convert_element_type3A_57 : vector<157x128xf32> to vector<1x157x128xf32>
    %reduce_sum3A_91 = arith.constant dense<0.000000e+00> : vector<1xf32>
    %reduce_sum3A_92 = vector.multi_reduction <add>, %reduce_sum3A_90, %reduce_sum3A_91 [1, 2] : vector<1x157x128xf32> to vector<1xf32>
    %reduce_sum3A_93 = vector.shape_cast %reduce_sum3A_92 : vector<1xf32> to vector<1x1x1xf32>
    %reduce_sum3A_94 = vector.extract %reduce_sum3A_93[0, 0, 0] : f32 from vector<1x1x1xf32>
    %convert_element_type3A_95 = arith.fptosi %reduce_sum3A_94 : f32 to i32
    %add3A_96 = arith.constant 3.276800e+04 : f32
    %add3A_97 = vector.broadcast %add3A_96 : f32 to vector<157x128xf32>
    %add3A_98 = arith.addf %sub3A_84, %add3A_97 : vector<157x128xf32>
    %jit3A = arith.constant -5.000000e+00 : f32
    %broadcast_in_dim3A_99 = vector.broadcast %jit3A : f32 to vector<157x128xf32>
    %select_n3A = arith.select %and3A_54, %add3A_98, %broadcast_in_dim3A_99 : vector<157x128xi1>, vector<157x128xf32>
    %select_n3A_100 = arith.select %and3A, %sub3A_74, %select_n3A : vector<157x128xi1>, vector<157x128xf32>
    %swap3A_101 = arith.constant 0 : index
    %swap3A_102 = arith.constant 0 : index
    %swap3A_103 = vector.load %arg9[%swap3A_101, %swap3A_102] : memref<157x128xf32, #tpu.memory_space<vmem>>, vector<157x128xf32>
    tpu.vector_store %arg9[%swap3A_101, %swap3A_102], %select_n3A_100 {strides = array<i32>} : memref<157x128xf32, #tpu.memory_space<vmem>>, vector<157x128xf32>,
    %gt3A = arith.constant 0 : i32
    %gt3A_104 = arith.cmpi sgt, %convert_element_type3A_89, %gt3A : i32
    %gt3A_105 = arith.constant 0 : i32
    %gt3A_106 = arith.cmpi sgt, %convert_element_type3A_95, %gt3A_105 : i32
    %min3A = arith.constant 64 : i32
    %min3A_107 = arith.minsi %min3A, %convert_element_type3A_89 : i32
    %jit3A_108 = arith.constant 256 : i32
    %select_n3A_109 = arith.select %gt3A_106, %min3A_107, %jit3A_108 : i32
    %jit3A_110 = arith.constant 0 : i32
    %select_n3A_111 = arith.select %gt3A_104, %select_n3A_109, %jit3A_110 : i32
    %iota3A_112 = tpu.iota {dimensions = array<i32: 0>} : vector<256x1xi32>
    %max3A = arith.constant 1 : i32
    %max3A_113 = arith.maxsi %convert_element_type3A_89, %max3A : i32
    %rem3A = vector.broadcast %max3A_113 : i32 to vector<256x1xi32>
    %rem3A_114 = arith.remsi %iota3A_112, %rem3A : vector<256x1xi32>
    %sub3A_115 = vector.broadcast %select_n3A_111 : i32 to vector<256x1xi32>
    %sub3A_116 = arith.subi %iota3A_112, %sub3A_115 : vector<256x1xi32>
    %max3A_117 = arith.constant 1 : i32
    %max3A_118 = arith.maxsi %convert_element_type3A_95, %max3A_117 : i32
    %rem3A_119 = vector.broadcast %max3A_118 : i32 to vector<256x1xi32>
    %rem3A_120 = arith.remsi %sub3A_116, %rem3A_119 : vector<256x1xi32>
    %lt3A_121 = vector.broadcast %select_n3A_111 : i32 to vector<256x1xi32>
    %lt3A_122 = arith.cmpi slt, %iota3A_112, %lt3A_121 : vector<256x1xi32>
    %add3A_123 = arith.constant 32768 : i32
    %add3A_124 = vector.broadcast %add3A_123 : i32 to vector<256x1xi32>
    %add3A_125 = arith.addi %rem3A_120, %add3A_124 : vector<256x1xi32>
    %select_n3A_126 = arith.select %lt3A_122, %rem3A_114, %add3A_125 : vector<256x1xi1>, vector<256x1xi32>
    %convert_element_type3A_127 = arith.sitofp %select_n3A_126 : vector<256x1xi32> to vector<256x1xf32>
    %iota3A_128 = tpu.iota {dimensions = array<i32: 1>} : vector<1x128xi32>
    %convert_element_type3A_129 = arith.sitofp %iota3A_128 : vector<1x128xi32> to vector<1x128xf32>
    %broadcast_in_dim3A_130 = arith.constant 0.000000e+00 : f32
    %broadcast_in_dim3A_131 = vector.broadcast %broadcast_in_dim3A_130 : f32 to vector<256x128xf32>
    %scan3A_132 = arith.constant 0 : i32
    %scan3A_133 = arith.constant 152 : i32
    %scan3A_134 = arith.addi %scan3A_132, %scan3A_133 : i32
    %scan3A_135 = arith.constant 8 : i32
    %scan3A_136 = scf.for %scan3A_237 = %scan3A_132 to %scan3A_134 step %scan3A_135 iter_args(%scan3A_238 = %broadcast_in_dim3A_131) -> (vector<256x128xf32>)  : i32 {
      %get3A_239 = arith.index_cast %scan3A_237 : i32 to index
      %get3A_240 = arith.constant 0 : index
      %get3A_241 = vector.load %arg9[%get3A_239, %get3A_240] : memref<157x128xf32, #tpu.memory_space<vmem>>, vector<1x128xf32>
      %eq3A_242 = vector.broadcast %convert_element_type3A_127 : vector<256x1xf32> to vector<256x128xf32>
      %eq3A_243 = vector.broadcast %get3A_241 : vector<1x128xf32> to vector<256x128xf32>
      %eq3A_244 = arith.cmpf oeq, %eq3A_242, %eq3A_243 : vector<256x128xf32>
      %convert_element_type3A_245 = arith.sitofp %scan3A_237 : i32 to f32
      %mul3A_246 = arith.constant 1.280000e+02 : f32
      %mul3A_247 = arith.mulf %convert_element_type3A_245, %mul3A_246 : f32
      %add3A_248 = vector.broadcast %mul3A_247 : f32 to vector<1x128xf32>
      %add3A_249 = arith.addf %convert_element_type3A_129, %add3A_248 : vector<1x128xf32>
      %broadcast_in_dim3A_250 = vector.shape_cast %add3A_249 : vector<1x128xf32> to vector<1x128xf32>
      %broadcast_in_dim3A_251 = vector.broadcast %broadcast_in_dim3A_250 : vector<1x128xf32> to vector<256x128xf32>
      %select_n3A_252 = arith.select %eq3A_244, %broadcast_in_dim3A_251, %scan3A_238 : vector<256x128xi1>, vector<256x128xf32>
      %scan3A_253 = arith.constant 1 : i32
      %scan3A_254 = arith.addi %scan3A_237, %scan3A_253 : i32
      %get3A_255 = arith.index_cast %scan3A_254 : i32 to index
      %get3A_256 = arith.constant 0 : index
      %get3A_257 = vector.load %arg9[%get3A_255, %get3A_256] : memref<157x128xf32, #tpu.memory_space<vmem>>, vector<1x128xf32>
      %eq3A_258 = vector.broadcast %convert_element_type3A_127 : vector<256x1xf32> to vector<256x128xf32>
      %eq3A_259 = vector.broadcast %get3A_257 : vector<1x128xf32> to vector<256x128xf32>
      %eq3A_260 = arith.cmpf oeq, %eq3A_258, %eq3A_259 : vector<256x128xf32>
      %convert_element_type3A_261 = arith.sitofp %scan3A_254 : i32 to f32
      %mul3A_262 = arith.constant 1.280000e+02 : f32
      %mul3A_263 = arith.mulf %convert_element_type3A_261, %mul3A_262 : f32
      %add3A_264 = vector.broadcast %mul3A_263 : f32 to vector<1x128xf32>
      %add3A_265 = arith.addf %convert_element_type3A_129, %add3A_264 : vector<1x128xf32>
      %broadcast_in_dim3A_266 = vector.shape_cast %add3A_265 : vector<1x128xf32> to vector<1x128xf32>
      %broadcast_in_dim3A_267 = vector.broadcast %broadcast_in_dim3A_266 : vector<1x128xf32> to vector<256x128xf32>
      %select_n3A_268 = arith.select %eq3A_260, %broadcast_in_dim3A_267, %select_n3A_252 : vector<256x128xi1>, vector<256x128xf32>
      %scan3A_269 = arith.constant 2 : i32
      %scan3A_270 = arith.addi %scan3A_237, %scan3A_269 : i32
      %get3A_271 = arith.index_cast %scan3A_270 : i32 to index
      %get3A_272 = arith.constant 0 : index
      %get3A_273 = vector.load %arg9[%get3A_271, %get3A_272] : memref<157x128xf32, #tpu.memory_space<vmem>>, vector<1x128xf32>
      %eq3A_274 = vector.broadcast %convert_element_type3A_127 : vector<256x1xf32> to vector<256x128xf32>
      %eq3A_275 = vector.broadcast %get3A_273 : vector<1x128xf32> to vector<256x128xf32>
      %eq3A_276 = arith.cmpf oeq, %eq3A_274, %eq3A_275 : vector<256x128xf32>
      %convert_element_type3A_277 = arith.sitofp %scan3A_270 : i32 to f32
      %mul3A_278 = arith.constant 1.280000e+02 : f32
      %mul3A_279 = arith.mulf %convert_element_type3A_277, %mul3A_278 : f32
      %add3A_280 = vector.broadcast %mul3A_279 : f32 to vector<1x128xf32>
      %add3A_281 = arith.addf %convert_element_type3A_129, %add3A_280 : vector<1x128xf32>
      %broadcast_in_dim3A_282 = vector.shape_cast %add3A_281 : vector<1x128xf32> to vector<1x128xf32>
      %broadcast_in_dim3A_283 = vector.broadcast %broadcast_in_dim3A_282 : vector<1x128xf32> to vector<256x128xf32>
      %select_n3A_284 = arith.select %eq3A_276, %broadcast_in_dim3A_283, %select_n3A_268 : vector<256x128xi1>, vector<256x128xf32>
      %scan3A_285 = arith.constant 3 : i32
      %scan3A_286 = arith.addi %scan3A_237, %scan3A_285 : i32
      %get3A_287 = arith.index_cast %scan3A_286 : i32 to index
      %get3A_288 = arith.constant 0 : index
      %get3A_289 = vector.load %arg9[%get3A_287, %get3A_288] : memref<157x128xf32, #tpu.memory_space<vmem>>, vector<1x128xf32>
      %eq3A_290 = vector.broadcast %convert_element_type3A_127 : vector<256x1xf32> to vector<256x128xf32>
      %eq3A_291 = vector.broadcast %get3A_289 : vector<1x128xf32> to vector<256x128xf32>
      %eq3A_292 = arith.cmpf oeq, %eq3A_290, %eq3A_291 : vector<256x128xf32>
      %convert_element_type3A_293 = arith.sitofp %scan3A_286 : i32 to f32
      %mul3A_294 = arith.constant 1.280000e+02 : f32
      %mul3A_295 = arith.mulf %convert_element_type3A_293, %mul3A_294 : f32
      %add3A_296 = vector.broadcast %mul3A_295 : f32 to vector<1x128xf32>
      %add3A_297 = arith.addf %convert_element_type3A_129, %add3A_296 : vector<1x128xf32>
      %broadcast_in_dim3A_298 = vector.shape_cast %add3A_297 : vector<1x128xf32> to vector<1x128xf32>
      %broadcast_in_dim3A_299 = vector.broadcast %broadcast_in_dim3A_298 : vector<1x128xf32> to vector<256x128xf32>
      %select_n3A_300 = arith.select %eq3A_292, %broadcast_in_dim3A_299, %select_n3A_284 : vector<256x128xi1>, vector<256x128xf32>
      %scan3A_301 = arith.constant 4 : i32
      %scan3A_302 = arith.addi %scan3A_237, %scan3A_301 : i32
      %get3A_303 = arith.index_cast %scan3A_302 : i32 to index
      %get3A_304 = arith.constant 0 : index
      %get3A_305 = vector.load %arg9[%get3A_303, %get3A_304] : memref<157x128xf32, #tpu.memory_space<vmem>>, vector<1x128xf32>
      %eq3A_306 = vector.broadcast %convert_element_type3A_127 : vector<256x1xf32> to vector<256x128xf32>
      %eq3A_307 = vector.broadcast %get3A_305 : vector<1x128xf32> to vector<256x128xf32>
      %eq3A_308 = arith.cmpf oeq, %eq3A_306, %eq3A_307 : vector<256x128xf32>
      %convert_element_type3A_309 = arith.sitofp %scan3A_302 : i32 to f32
      %mul3A_310 = arith.constant 1.280000e+02 : f32
      %mul3A_311 = arith.mulf %convert_element_type3A_309, %mul3A_310 : f32
      %add3A_312 = vector.broadcast %mul3A_311 : f32 to vector<1x128xf32>
      %add3A_313 = arith.addf %convert_element_type3A_129, %add3A_312 : vector<1x128xf32>
      %broadcast_in_dim3A_314 = vector.shape_cast %add3A_313 : vector<1x128xf32> to vector<1x128xf32>
      %broadcast_in_dim3A_315 = vector.broadcast %broadcast_in_dim3A_314 : vector<1x128xf32> to vector<256x128xf32>
      %select_n3A_316 = arith.select %eq3A_308, %broadcast_in_dim3A_315, %select_n3A_300 : vector<256x128xi1>, vector<256x128xf32>
      %scan3A_317 = arith.constant 5 : i32
      %scan3A_318 = arith.addi %scan3A_237, %scan3A_317 : i32
      %get3A_319 = arith.index_cast %scan3A_318 : i32 to index
      %get3A_320 = arith.constant 0 : index
      %get3A_321 = vector.load %arg9[%get3A_319, %get3A_320] : memref<157x128xf32, #tpu.memory_space<vmem>>, vector<1x128xf32>
      %eq3A_322 = vector.broadcast %convert_element_type3A_127 : vector<256x1xf32> to vector<256x128xf32>
      %eq3A_323 = vector.broadcast %get3A_321 : vector<1x128xf32> to vector<256x128xf32>
      %eq3A_324 = arith.cmpf oeq, %eq3A_322, %eq3A_323 : vector<256x128xf32>
      %convert_element_type3A_325 = arith.sitofp %scan3A_318 : i32 to f32
      %mul3A_326 = arith.constant 1.280000e+02 : f32
      %mul3A_327 = arith.mulf %convert_element_type3A_325, %mul3A_326 : f32
      %add3A_328 = vector.broadcast %mul3A_327 : f32 to vector<1x128xf32>
      %add3A_329 = arith.addf %convert_element_type3A_129, %add3A_328 : vector<1x128xf32>
      %broadcast_in_dim3A_330 = vector.shape_cast %add3A_329 : vector<1x128xf32> to vector<1x128xf32>
      %broadcast_in_dim3A_331 = vector.broadcast %broadcast_in_dim3A_330 : vector<1x128xf32> to vector<256x128xf32>
      %select_n3A_332 = arith.select %eq3A_324, %broadcast_in_dim3A_331, %select_n3A_316 : vector<256x128xi1>, vector<256x128xf32>
      %scan3A_333 = arith.constant 6 : i32
      %scan3A_334 = arith.addi %scan3A_237, %scan3A_333 : i32
      %get3A_335 = arith.index_cast %scan3A_334 : i32 to index
      %get3A_336 = arith.constant 0 : index
      %get3A_337 = vector.load %arg9[%get3A_335, %get3A_336] : memref<157x128xf32, #tpu.memory_space<vmem>>, vector<1x128xf32>
      %eq3A_338 = vector.broadcast %convert_element_type3A_127 : vector<256x1xf32> to vector<256x128xf32>
      %eq3A_339 = vector.broadcast %get3A_337 : vector<1x128xf32> to vector<256x128xf32>
      %eq3A_340 = arith.cmpf oeq, %eq3A_338, %eq3A_339 : vector<256x128xf32>
      %convert_element_type3A_341 = arith.sitofp %scan3A_334 : i32 to f32
      %mul3A_342 = arith.constant 1.280000e+02 : f32
      %mul3A_343 = arith.mulf %convert_element_type3A_341, %mul3A_342 : f32
      %add3A_344 = vector.broadcast %mul3A_343 : f32 to vector<1x128xf32>
      %add3A_345 = arith.addf %convert_element_type3A_129, %add3A_344 : vector<1x128xf32>
      %broadcast_in_dim3A_346 = vector.shape_cast %add3A_345 : vector<1x128xf32> to vector<1x128xf32>
      %broadcast_in_dim3A_347 = vector.broadcast %broadcast_in_dim3A_346 : vector<1x128xf32> to vector<256x128xf32>
      %select_n3A_348 = arith.select %eq3A_340, %broadcast_in_dim3A_347, %select_n3A_332 : vector<256x128xi1>, vector<256x128xf32>
      %scan3A_349 = arith.constant 7 : i32
      %scan3A_350 = arith.addi %scan3A_237, %scan3A_349 : i32
      %get3A_351 = arith.index_cast %scan3A_350 : i32 to index
      %get3A_352 = arith.constant 0 : index
      %get3A_353 = vector.load %arg9[%get3A_351, %get3A_352] : memref<157x128xf32, #tpu.memory_space<vmem>>, vector<1x128xf32>
      %eq3A_354 = vector.broadcast %convert_element_type3A_127 : vector<256x1xf32> to vector<256x128xf32>
      %eq3A_355 = vector.broadcast %get3A_353 : vector<1x128xf32> to vector<256x128xf32>
      %eq3A_356 = arith.cmpf oeq, %eq3A_354, %eq3A_355 : vector<256x128xf32>
      %convert_element_type3A_357 = arith.sitofp %scan3A_350 : i32 to f32
      %mul3A_358 = arith.constant 1.280000e+02 : f32
      %mul3A_359 = arith.mulf %convert_element_type3A_357, %mul3A_358 : f32
      %add3A_360 = vector.broadcast %mul3A_359 : f32 to vector<1x128xf32>
      %add3A_361 = arith.addf %convert_element_type3A_129, %add3A_360 : vector<1x128xf32>
      %broadcast_in_dim3A_362 = vector.shape_cast %add3A_361 : vector<1x128xf32> to vector<1x128xf32>
      %broadcast_in_dim3A_363 = vector.broadcast %broadcast_in_dim3A_362 : vector<1x128xf32> to vector<256x128xf32>
      %select_n3A_364 = arith.select %eq3A_356, %broadcast_in_dim3A_363, %select_n3A_348 : vector<256x128xi1>, vector<256x128xf32>
      scf.yield %select_n3A_364 : vector<256x128xf32>
    }
    %scan3A_137 = arith.constant 152 : i32
    %scan3A_138 = arith.addi %scan3A_132, %scan3A_137 : i32
    %get3A_139 = arith.index_cast %scan3A_138 : i32 to index
    %get3A_140 = arith.constant 0 : index
    %get3A_141 = vector.load %arg9[%get3A_139, %get3A_140] : memref<157x128xf32, #tpu.memory_space<vmem>>, vector<1x128xf32>
    %eq3A = vector.broadcast %convert_element_type3A_127 : vector<256x1xf32> to vector<256x128xf32>
    %eq3A_142 = vector.broadcast %get3A_141 : vector<1x128xf32> to vector<256x128xf32>
    %eq3A_143 = arith.cmpf oeq, %eq3A, %eq3A_142 : vector<256x128xf32>
    %convert_element_type3A_144 = arith.sitofp %scan3A_138 : i32 to f32
    %mul3A_145 = arith.constant 1.280000e+02 : f32
    %mul3A_146 = arith.mulf %convert_element_type3A_144, %mul3A_145 : f32
    %add3A_147 = vector.broadcast %mul3A_146 : f32 to vector<1x128xf32>
    %add3A_148 = arith.addf %convert_element_type3A_129, %add3A_147 : vector<1x128xf32>
    %broadcast_in_dim3A_149 = vector.shape_cast %add3A_148 : vector<1x128xf32> to vector<1x128xf32>
    %broadcast_in_dim3A_150 = vector.broadcast %broadcast_in_dim3A_149 : vector<1x128xf32> to vector<256x128xf32>
    %select_n3A_151 = arith.select %eq3A_143, %broadcast_in_dim3A_150, %scan3A_136 : vector<256x128xi1>, vector<256x128xf32>
    %scan3A_152 = arith.constant 153 : i32
    %scan3A_153 = arith.addi %scan3A_132, %scan3A_152 : i32
    %get3A_154 = arith.index_cast %scan3A_153 : i32 to index
    %get3A_155 = arith.constant 0 : index
    %get3A_156 = vector.load %arg9[%get3A_154, %get3A_155] : memref<157x128xf32, #tpu.memory_space<vmem>>, vector<1x128xf32>
    %eq3A_157 = vector.broadcast %convert_element_type3A_127 : vector<256x1xf32> to vector<256x128xf32>
    %eq3A_158 = vector.broadcast %get3A_156 : vector<1x128xf32> to vector<256x128xf32>
    %eq3A_159 = arith.cmpf oeq, %eq3A_157, %eq3A_158 : vector<256x128xf32>
    %convert_element_type3A_160 = arith.sitofp %scan3A_153 : i32 to f32
    %mul3A_161 = arith.constant 1.280000e+02 : f32
    %mul3A_162 = arith.mulf %convert_element_type3A_160, %mul3A_161 : f32
    %add3A_163 = vector.broadcast %mul3A_162 : f32 to vector<1x128xf32>
    %add3A_164 = arith.addf %convert_element_type3A_129, %add3A_163 : vector<1x128xf32>
    %broadcast_in_dim3A_165 = vector.shape_cast %add3A_164 : vector<1x128xf32> to vector<1x128xf32>
    %broadcast_in_dim3A_166 = vector.broadcast %broadcast_in_dim3A_165 : vector<1x128xf32> to vector<256x128xf32>
    %select_n3A_167 = arith.select %eq3A_159, %broadcast_in_dim3A_166, %select_n3A_151 : vector<256x128xi1>, vector<256x128xf32>
    %scan3A_168 = arith.constant 154 : i32
    %scan3A_169 = arith.addi %scan3A_132, %scan3A_168 : i32
    %get3A_170 = arith.index_cast %scan3A_169 : i32 to index
    %get3A_171 = arith.constant 0 : index
    %get3A_172 = vector.load %arg9[%get3A_170, %get3A_171] : memref<157x128xf32, #tpu.memory_space<vmem>>, vector<1x128xf32>
    %eq3A_173 = vector.broadcast %convert_element_type3A_127 : vector<256x1xf32> to vector<256x128xf32>
    %eq3A_174 = vector.broadcast %get3A_172 : vector<1x128xf32> to vector<256x128xf32>
    %eq3A_175 = arith.cmpf oeq, %eq3A_173, %eq3A_174 : vector<256x128xf32>
    %convert_element_type3A_176 = arith.sitofp %scan3A_169 : i32 to f32
    %mul3A_177 = arith.constant 1.280000e+02 : f32
    %mul3A_178 = arith.mulf %convert_element_type3A_176, %mul3A_177 : f32
    %add3A_179 = vector.broadcast %mul3A_178 : f32 to vector<1x128xf32>
    %add3A_180 = arith.addf %convert_element_type3A_129, %add3A_179 : vector<1x128xf32>
    %broadcast_in_dim3A_181 = vector.shape_cast %add3A_180 : vector<1x128xf32> to vector<1x128xf32>
    %broadcast_in_dim3A_182 = vector.broadcast %broadcast_in_dim3A_181 : vector<1x128xf32> to vector<256x128xf32>
    %select_n3A_183 = arith.select %eq3A_175, %broadcast_in_dim3A_182, %select_n3A_167 : vector<256x128xi1>, vector<256x128xf32>
    %scan3A_184 = arith.constant 155 : i32
    %scan3A_185 = arith.addi %scan3A_132, %scan3A_184 : i32
    %get3A_186 = arith.index_cast %scan3A_185 : i32 to index
    %get3A_187 = arith.constant 0 : index
    %get3A_188 = vector.load %arg9[%get3A_186, %get3A_187] : memref<157x128xf32, #tpu.memory_space<vmem>>, vector<1x128xf32>
    %eq3A_189 = vector.broadcast %convert_element_type3A_127 : vector<256x1xf32> to vector<256x128xf32>
    %eq3A_190 = vector.broadcast %get3A_188 : vector<1x128xf32> to vector<256x128xf32>
    %eq3A_191 = arith.cmpf oeq, %eq3A_189, %eq3A_190 : vector<256x128xf32>
    %convert_element_type3A_192 = arith.sitofp %scan3A_185 : i32 to f32
    %mul3A_193 = arith.constant 1.280000e+02 : f32
    %mul3A_194 = arith.mulf %convert_element_type3A_192, %mul3A_193 : f32
    %add3A_195 = vector.broadcast %mul3A_194 : f32 to vector<1x128xf32>
    %add3A_196 = arith.addf %convert_element_type3A_129, %add3A_195 : vector<1x128xf32>
    %broadcast_in_dim3A_197 = vector.shape_cast %add3A_196 : vector<1x128xf32> to vector<1x128xf32>
    %broadcast_in_dim3A_198 = vector.broadcast %broadcast_in_dim3A_197 : vector<1x128xf32> to vector<256x128xf32>
    %select_n3A_199 = arith.select %eq3A_191, %broadcast_in_dim3A_198, %select_n3A_183 : vector<256x128xi1>, vector<256x128xf32>
    %scan3A_200 = arith.constant 156 : i32
    %scan3A_201 = arith.addi %scan3A_132, %scan3A_200 : i32
    %get3A_202 = arith.index_cast %scan3A_201 : i32 to index
    %get3A_203 = arith.constant 0 : index
    %get3A_204 = vector.load %arg9[%get3A_202, %get3A_203] : memref<157x128xf32, #tpu.memory_space<vmem>>, vector<1x128xf32>
    %eq3A_205 = vector.broadcast %convert_element_type3A_127 : vector<256x1xf32> to vector<256x128xf32>
    %eq3A_206 = vector.broadcast %get3A_204 : vector<1x128xf32> to vector<256x128xf32>
    %eq3A_207 = arith.cmpf oeq, %eq3A_205, %eq3A_206 : vector<256x128xf32>
    %convert_element_type3A_208 = arith.sitofp %scan3A_201 : i32 to f32
    %mul3A_209 = arith.constant 1.280000e+02 : f32
    %mul3A_210 = arith.mulf %convert_element_type3A_208, %mul3A_209 : f32
    %add3A_211 = vector.broadcast %mul3A_210 : f32 to vector<1x128xf32>
    %add3A_212 = arith.addf %convert_element_type3A_129, %add3A_211 : vector<1x128xf32>
    %broadcast_in_dim3A_213 = vector.shape_cast %add3A_212 : vector<1x128xf32> to vector<1x128xf32>
    %broadcast_in_dim3A_214 = vector.broadcast %broadcast_in_dim3A_213 : vector<1x128xf32> to vector<256x128xf32>
    %select_n3A_215 = arith.select %eq3A_207, %broadcast_in_dim3A_214, %select_n3A_199 : vector<256x128xi1>, vector<256x128xf32>
    %scan3A_216 = arith.constant 157 : i32
    %reduce_sum3A_217 = arith.constant dense<0.000000e+00> : vector<256xf32>
    %reduce_sum3A_218 = vector.multi_reduction <add>, %select_n3A_215, %reduce_sum3A_217 [1] : vector<256x128xf32> to vector<256xf32>
    %broadcast_in_dim3A_219 = vector.shape_cast %reduce_sum3A_218 : vector<256xf32> to vector<256x1xf32>
    %swap3A_220 = arith.constant 0 : index
    %swap3A_221 = arith.constant 0 : index
    %swap3A_222 = arith.constant 0 : index
    %swap3A_223 = vector.load %arg6[%swap3A_220, %swap3A_221, %swap3A_222] : memref<1x256x1xf32, #tpu.memory_space<vmem>>, vector<1x256x1xf32>
    %swap3A_224 = vector.shape_cast %swap3A_223 : vector<1x256x1xf32> to vector<256x1xf32>
    %swap3A_225 = vector.shape_cast %broadcast_in_dim3A_219 : vector<256x1xf32> to vector<1x256x1xf32>
    tpu.vector_store %arg6[%swap3A_220, %swap3A_221, %swap3A_222], %swap3A_225 {strides = array<i32>} : memref<1x256x1xf32, #tpu.memory_space<vmem>>, vector<1x256x1xf32>,
    %broadcast_in_dim3A_226 = arith.constant 1.000000e+00 : f32
    %broadcast_in_dim3A_227 = vector.broadcast %broadcast_in_dim3A_226 : f32 to vector<1x128xf32>
    %convert_element_type3A_228 = arith.sitofp %select_n3A_111 : i32 to f32
    %mul3A_229 = vector.broadcast %convert_element_type3A_228 : f32 to vector<1x128xf32>
    %mul3A_230 = arith.mulf %broadcast_in_dim3A_227, %mul3A_229 : vector<1x128xf32>
    %swap3A_231 = arith.constant 0 : index
    %swap3A_232 = arith.constant 0 : index
    %swap3A_233 = arith.constant 0 : index
    %swap3A_234 = vector.load %arg7[%swap3A_231, %swap3A_232, %swap3A_233] : memref<1x1x128xf32, #tpu.memory_space<vmem>>, vector<1x1x128xf32>
    %swap3A_235 = vector.shape_cast %swap3A_234 : vector<1x1x128xf32> to vector<1x128xf32>
    %swap3A_236 = vector.shape_cast %mul3A_230 : vector<1x128xf32> to vector<1x1x128xf32>
    tpu.vector_store %arg7[%swap3A_231, %swap3A_232, %swap3A_233], %swap3A_236 {strides = array<i32>} : memref<1x1x128xf32, #tpu.memory_space<vmem>>, vector<1x1x128xf32>,
    return
  }
  func.func @transform_0(%arg0: i32) -> (i32, i32, i32) {
    %c0_i32 = arith.constant 0 : i32
    %c0_i32_0 = arith.constant 0 : i32
    %c0_i32_1 = arith.constant 0 : i32
    return %arg0, %c0_i32, %c0_i32_0 : i32, i32, i32
  }
  func.func @transform_1(%arg0: i32) -> (i32, i32, i32) {
    %c0_i32 = arith.constant 0 : i32
    %c0_i32_0 = arith.constant 0 : i32
    %c0_i32_1 = arith.constant 0 : i32
    return %arg0, %c0_i32, %c0_i32_0 : i32, i32, i32
  }
  func.func @transform_2(%arg0: i32) -> (i32, i32, i32) {
    %c0_i32 = arith.constant 0 : i32
    %c0_i32_0 = arith.constant 0 : i32
    %c0_i32_1 = arith.constant 0 : i32
    return %arg0, %c0_i32, %c0_i32_0 : i32, i32, i32
  }
  func.func @transform_3(%arg0: i32) -> (i32, i32, i32) {
    %c0_i32 = arith.constant 0 : i32
    %c0_i32_0 = arith.constant 0 : i32
    %c0_i32_1 = arith.constant 0 : i32
    return %arg0, %c0_i32, %c0_i32_0 : i32, i32, i32
  }
  func.func @transform_4(%arg0: i32) -> (i32, i32, i32) {
    %c0_i32 = arith.constant 0 : i32
    %c0_i32_0 = arith.constant 0 : i32
    %c0_i32_1 = arith.constant 0 : i32
    return %arg0, %c0_i32, %c0_i32_0 : i32, i32, i32
  }
  func.func @transform_5(%arg0: i32) -> (i32, i32, i32) {
    %c0_i32 = arith.constant 0 : i32
    %c0_i32_0 = arith.constant 0 : i32
    %c0_i32_1 = arith.constant 0 : i32
    return %arg0, %c0_i32, %c0_i32_0 : i32, i32, i32
  }
  func.func @transform_6(%arg0: i32) -> (i32, i32, i32) {
    %c0_i32 = arith.constant 0 : i32
    %c0_i32_0 = arith.constant 0 : i32
    %c0_i32_1 = arith.constant 0 : i32
    return %arg0, %c0_i32, %c0_i32_0 : i32, i32, i32
  }
  func.func @transform_7(%arg0: i32) -> (i32, i32, i32) {
    %c0_i32 = arith.constant 0 : i32
    %c0_i32_0 = arith.constant 0 : i32
    %c0_i32_1 = arith.constant 0 : i32
    return %arg0, %c0_i32, %c0_i32_0 : i32, i32, i32
  }
}

module attributes {stable_mosaic.version = 14 : i64} {
  func.func @_out_body(%arg0: i32, %arg1: memref<1x1x128xf32, #tpu.memory_space<smem>>, %arg2: memref<1x256x1xf32, #tpu.memory_space<vmem>>, %arg3: memref<1x256x128xf32, #tpu.memory_space<vmem>>, %arg4: memref<1x256x128xf32, #tpu.memory_space<vmem>>, %arg5: memref<1x256x128xf32, #tpu.memory_space<vmem>>, %arg6: memref<1x256x128xf32, #tpu.memory_space<vmem>>, %arg7: memref<1x256x128xf32, #tpu.memory_space<vmem>>, %arg8: memref<1x8x64xf32, #tpu.memory_space<vmem>>, %arg9: memref<1x256x24xf32, #tpu.memory_space<vmem>>) attributes {dimension_semantics = [#tpu.dimension_semantics<arbitrary>], iteration_bounds = array<i64: 4>, scalar_prefetch = 0 : i64, scratch_operands = 0 : i64, tpu.core_type = #tpu.core_type<tc>, window_params = [{transform_indices = @transform_0, window_bounds = array<i64: 1, 1, 128>}, {transform_indices = @transform_1, window_bounds = array<i64: 1, 256, 1>}, {transform_indices = @transform_2, window_bounds = array<i64: 1, 256, 128>}, {transform_indices = @transform_3, window_bounds = array<i64: 1, 256, 128>}, {transform_indices = @transform_4, window_bounds = array<i64: 1, 256, 128>}, {transform_indices = @transform_5, window_bounds = array<i64: 1, 256, 128>}, {transform_indices = @transform_6, window_bounds = array<i64: 1, 256, 128>}, {transform_indices = @transform_7, window_bounds = array<i64: 1, 8, 64>}, {transform_indices = @transform_8, window_bounds = array<i64: 1, 256, 24>}]} {
    %get3A = arith.constant 0 : index
    %get3A_0 = arith.constant 0 : index
    %get3A_1 = arith.constant 0 : index
    %get3A_2 = vector.load %arg2[%get3A, %get3A_0, %get3A_1] : memref<1x256x1xf32, #tpu.memory_space<vmem>>, vector<1x256x1xf32>
    %get3A_3 = vector.shape_cast %get3A_2 : vector<1x256x1xf32> to vector<256x1xf32>
    %mul3A = arith.constant 7.812500e-03 : f32
    %mul3A_4 = vector.broadcast %mul3A : f32 to vector<256x1xf32>
    %mul3A_5 = arith.mulf %get3A_3, %mul3A_4 : vector<256x1xf32>
    %floor3A = math.floor %mul3A_5 : vector<256x1xf32>
    %mul3A_6 = arith.constant 1.280000e+02 : f32
    %mul3A_7 = vector.broadcast %mul3A_6 : f32 to vector<256x1xf32>
    %mul3A_8 = arith.mulf %floor3A, %mul3A_7 : vector<256x1xf32>
    %sub3A = arith.subf %get3A_3, %mul3A_8 : vector<256x1xf32>
    %iota3A = tpu.iota {dimensions = array<i32: 1>} : vector<1x128xi32>
    %convert_element_type3A = arith.sitofp %iota3A : vector<1x128xi32> to vector<1x128xf32>
    %eq3A = vector.broadcast %sub3A : vector<256x1xf32> to vector<256x128xf32>
    %eq3A_9 = vector.broadcast %convert_element_type3A : vector<1x128xf32> to vector<256x128xf32>
    %eq3A_10 = arith.cmpf oeq, %eq3A, %eq3A_9 : vector<256x128xf32>
    %get3A_11 = arith.constant 0 : index
    %get3A_12 = arith.constant 0 : index
    %get3A_13 = arith.constant 0 : index
    %get3A_14 = vector.load %arg3[%get3A_11, %get3A_12, %get3A_13] : memref<1x256x128xf32, #tpu.memory_space<vmem>>, vector<1x256x128xf32>
    %get3A_15 = vector.shape_cast %get3A_14 : vector<1x256x128xf32> to vector<256x128xf32>
    %jit3A = arith.constant 0.000000e+00 : f32
    %broadcast_in_dim3A = vector.broadcast %jit3A : f32 to vector<256x128xf32>
    %select_n3A = arith.select %eq3A_10, %get3A_15, %broadcast_in_dim3A : vector<256x128xi1>, vector<256x128xf32>
    %reduce_sum3A = arith.constant dense<0.000000e+00> : vector<256xf32>
    %reduce_sum3A_16 = vector.multi_reduction <add>, %select_n3A, %reduce_sum3A [1] : vector<256x128xf32> to vector<256xf32>
    %broadcast_in_dim3A_17 = vector.shape_cast %reduce_sum3A_16 : vector<256xf32> to vector<256x1xf32>
    %get3A_18 = arith.constant 0 : index
    %get3A_19 = arith.constant 0 : index
    %get3A_20 = arith.constant 0 : index
    %get3A_21 = vector.load %arg4[%get3A_18, %get3A_19, %get3A_20] : memref<1x256x128xf32, #tpu.memory_space<vmem>>, vector<1x256x128xf32>
    %get3A_22 = vector.shape_cast %get3A_21 : vector<1x256x128xf32> to vector<256x128xf32>
    %jit3A_23 = arith.constant 0.000000e+00 : f32
    %broadcast_in_dim3A_24 = vector.broadcast %jit3A_23 : f32 to vector<256x128xf32>
    %select_n3A_25 = arith.select %eq3A_10, %get3A_22, %broadcast_in_dim3A_24 : vector<256x128xi1>, vector<256x128xf32>
    %reduce_sum3A_26 = arith.constant dense<0.000000e+00> : vector<256xf32>
    %reduce_sum3A_27 = vector.multi_reduction <add>, %select_n3A_25, %reduce_sum3A_26 [1] : vector<256x128xf32> to vector<256xf32>
    %broadcast_in_dim3A_28 = vector.shape_cast %reduce_sum3A_27 : vector<256xf32> to vector<256x1xf32>
    %get3A_29 = arith.constant 0 : index
    %get3A_30 = arith.constant 0 : index
    %get3A_31 = arith.constant 0 : index
    %get3A_32 = vector.load %arg5[%get3A_29, %get3A_30, %get3A_31] : memref<1x256x128xf32, #tpu.memory_space<vmem>>, vector<1x256x128xf32>
    %get3A_33 = vector.shape_cast %get3A_32 : vector<1x256x128xf32> to vector<256x128xf32>
    %jit3A_34 = arith.constant 0.000000e+00 : f32
    %broadcast_in_dim3A_35 = vector.broadcast %jit3A_34 : f32 to vector<256x128xf32>
    %select_n3A_36 = arith.select %eq3A_10, %get3A_33, %broadcast_in_dim3A_35 : vector<256x128xi1>, vector<256x128xf32>
    %reduce_sum3A_37 = arith.constant dense<0.000000e+00> : vector<256xf32>
    %reduce_sum3A_38 = vector.multi_reduction <add>, %select_n3A_36, %reduce_sum3A_37 [1] : vector<256x128xf32> to vector<256xf32>
    %broadcast_in_dim3A_39 = vector.shape_cast %reduce_sum3A_38 : vector<256xf32> to vector<256x1xf32>
    %get3A_40 = arith.constant 0 : index
    %get3A_41 = arith.constant 0 : index
    %get3A_42 = arith.constant 0 : index
    %get3A_43 = vector.load %arg6[%get3A_40, %get3A_41, %get3A_42] : memref<1x256x128xf32, #tpu.memory_space<vmem>>, vector<1x256x128xf32>
    %get3A_44 = vector.shape_cast %get3A_43 : vector<1x256x128xf32> to vector<256x128xf32>
    %jit3A_45 = arith.constant 0.000000e+00 : f32
    %broadcast_in_dim3A_46 = vector.broadcast %jit3A_45 : f32 to vector<256x128xf32>
    %select_n3A_47 = arith.select %eq3A_10, %get3A_44, %broadcast_in_dim3A_46 : vector<256x128xi1>, vector<256x128xf32>
    %reduce_sum3A_48 = arith.constant dense<0.000000e+00> : vector<256xf32>
    %reduce_sum3A_49 = vector.multi_reduction <add>, %select_n3A_47, %reduce_sum3A_48 [1] : vector<256x128xf32> to vector<256xf32>
    %broadcast_in_dim3A_50 = vector.shape_cast %reduce_sum3A_49 : vector<256xf32> to vector<256x1xf32>
    %get3A_51 = arith.constant 0 : index
    %get3A_52 = arith.constant 0 : index
    %get3A_53 = arith.constant 0 : index
    %get3A_54 = vector.load %arg7[%get3A_51, %get3A_52, %get3A_53] : memref<1x256x128xf32, #tpu.memory_space<vmem>>, vector<1x256x128xf32>
    %get3A_55 = vector.shape_cast %get3A_54 : vector<1x256x128xf32> to vector<256x128xf32>
    %jit3A_56 = arith.constant 0.000000e+00 : f32
    %broadcast_in_dim3A_57 = vector.broadcast %jit3A_56 : f32 to vector<256x128xf32>
    %select_n3A_58 = arith.select %eq3A_10, %get3A_55, %broadcast_in_dim3A_57 : vector<256x128xi1>, vector<256x128xf32>
    %reduce_sum3A_59 = arith.constant dense<0.000000e+00> : vector<256xf32>
    %reduce_sum3A_60 = vector.multi_reduction <add>, %select_n3A_58, %reduce_sum3A_59 [1] : vector<256x128xf32> to vector<256xf32>
    %broadcast_in_dim3A_61 = vector.shape_cast %reduce_sum3A_60 : vector<256xf32> to vector<256x1xf32>
    %get3A_62 = arith.constant 0 : index
    %get3A_63 = arith.constant 0 : index
    %get3A_64 = arith.constant 0 : index
    %get3A_65 = memref.load %arg1[%get3A_62, %get3A_63, %get3A_64] : memref<1x1x128xf32, #tpu.memory_space<smem>>
    %convert_element_type3A_66 = arith.fptosi %get3A_65 : f32 to i32
    %iota3A_67 = tpu.iota {dimensions = array<i32: 0>} : vector<256x1xi32>
    %lt3A = vector.broadcast %convert_element_type3A_66 : i32 to vector<256x1xi32>
    %lt3A_68 = arith.cmpi slt, %iota3A_67, %lt3A : vector<256x1xi32>
    %iota3A_69 = tpu.iota {dimensions = array<i32: 1>} : vector<1x64xi32>
    %convert_element_type3A_70 = arith.sitofp %iota3A_69 : vector<1x64xi32> to vector<1x64xf32>
    %eq3A_71 = vector.broadcast %broadcast_in_dim3A_61 : vector<256x1xf32> to vector<256x64xf32>
    %eq3A_72 = vector.broadcast %convert_element_type3A_70 : vector<1x64xf32> to vector<256x64xf32>
    %eq3A_73 = arith.cmpf oeq, %eq3A_71, %eq3A_72 : vector<256x64xf32>
    %convert_element_type3A_74 = arith.extui %eq3A_73 : vector<256x64xi1> to vector<256x64xi32>
    %convert_element_type3A_75 = arith.sitofp %convert_element_type3A_74 : vector<256x64xi32> to vector<256x64xf32>
    %get3A_76 = arith.constant 0 : index
    %get3A_77 = arith.constant 0 : index
    %get3A_78 = arith.constant 0 : index
    %get3A_79 = vector.load %arg8[%get3A_76, %get3A_77, %get3A_78] : memref<1x8x64xf32, #tpu.memory_space<vmem>>, vector<1x8x64xf32>
    %get3A_80 = vector.shape_cast %get3A_79 : vector<1x8x64xf32> to vector<8x64xf32>
    %dot_general3A = arith.constant dense<0.000000e+00> : vector<256x8xf32>
    %dot_general3A_81 = tpu.matmul %convert_element_type3A_75, %get3A_80, %dot_general3A {dimension_numbers = #tpu.dot_dimension_numbers<[1], [1], [0], [0], [0, 0, 1, 0], [], []>, precision = #tpu.contract_precision<fp32>, transpose_lhs_hint = false} : vector<256x64xf32>, vector<8x64xf32>, vector<256x8xf32> -> vector<256x8xf32>
    %slice3A = vector.extract_strided_slice %dot_general3A_81 {offsets = [0, 0], sizes = [256, 1], strides = [1, 1]} : vector<256x8xf32> to vector<256x1xf32>
    %slice3A_82 = vector.extract_strided_slice %dot_general3A_81 {offsets = [0, 1], sizes = [256, 1], strides = [1, 1]} : vector<256x8xf32> to vector<256x1xf32>
    %slice3A_83 = vector.extract_strided_slice %dot_general3A_81 {offsets = [0, 2], sizes = [256, 1], strides = [1, 1]} : vector<256x8xf32> to vector<256x1xf32>
    %slice3A_84 = vector.extract_strided_slice %dot_general3A_81 {offsets = [0, 3], sizes = [256, 1], strides = [1, 1]} : vector<256x8xf32> to vector<256x1xf32>
    %slice3A_85 = vector.extract_strided_slice %dot_general3A_81 {offsets = [0, 4], sizes = [256, 1], strides = [1, 1]} : vector<256x8xf32> to vector<256x1xf32>
    %sub3A_86 = arith.subf %broadcast_in_dim3A_39, %broadcast_in_dim3A_17 : vector<256x1xf32>
    %add3A = arith.constant 1.000000e+00 : f32
    %add3A_87 = vector.broadcast %add3A : f32 to vector<256x1xf32>
    %add3A_88 = arith.addf %sub3A_86, %add3A_87 : vector<256x1xf32>
    %sub3A_89 = arith.subf %broadcast_in_dim3A_50, %broadcast_in_dim3A_28 : vector<256x1xf32>
    %add3A_90 = arith.constant 1.000000e+00 : f32
    %add3A_91 = vector.broadcast %add3A_90 : f32 to vector<256x1xf32>
    %add3A_92 = arith.addf %sub3A_89, %add3A_91 : vector<256x1xf32>
    %mul3A_93 = arith.constant 5.000000e-01 : f32
    %mul3A_94 = vector.broadcast %mul3A_93 : f32 to vector<256x1xf32>
    %mul3A_95 = arith.mulf %mul3A_94, %add3A_88 : vector<256x1xf32>
    %add3A_96 = arith.addf %broadcast_in_dim3A_17, %mul3A_95 : vector<256x1xf32>
    %mul3A_97 = arith.constant 5.000000e-01 : f32
    %mul3A_98 = vector.broadcast %mul3A_97 : f32 to vector<256x1xf32>
    %mul3A_99 = arith.mulf %mul3A_98, %add3A_92 : vector<256x1xf32>
    %add3A_100 = arith.addf %broadcast_in_dim3A_28, %mul3A_99 : vector<256x1xf32>
    %sub3A_101 = arith.subf %slice3A_83, %slice3A : vector<256x1xf32>
    %add3A_102 = arith.constant 1.000000e+00 : f32
    %add3A_103 = vector.broadcast %add3A_102 : f32 to vector<256x1xf32>
    %add3A_104 = arith.addf %sub3A_101, %add3A_103 : vector<256x1xf32>
    %sub3A_105 = arith.subf %slice3A_84, %slice3A_82 : vector<256x1xf32>
    %add3A_106 = arith.constant 1.000000e+00 : f32
    %add3A_107 = vector.broadcast %add3A_106 : f32 to vector<256x1xf32>
    %add3A_108 = arith.addf %sub3A_105, %add3A_107 : vector<256x1xf32>
    %mul3A_109 = arith.constant 5.000000e-01 : f32
    %mul3A_110 = vector.broadcast %mul3A_109 : f32 to vector<256x1xf32>
    %mul3A_111 = arith.mulf %mul3A_110, %add3A_104 : vector<256x1xf32>
    %add3A_112 = arith.addf %slice3A, %mul3A_111 : vector<256x1xf32>
    %mul3A_113 = arith.constant 5.000000e-01 : f32
    %mul3A_114 = vector.broadcast %mul3A_113 : f32 to vector<256x1xf32>
    %mul3A_115 = arith.mulf %mul3A_114, %add3A_108 : vector<256x1xf32>
    %add3A_116 = arith.addf %slice3A_82, %mul3A_115 : vector<256x1xf32>
    %sub3A_117 = arith.subf %add3A_112, %add3A_96 : vector<256x1xf32>
    %div3A = arith.divf %sub3A_117, %add3A_88 : vector<256x1xf32>
    %sub3A_118 = arith.subf %add3A_116, %add3A_100 : vector<256x1xf32>
    %div3A_119 = arith.divf %sub3A_118, %add3A_92 : vector<256x1xf32>
    %div3A_120 = arith.divf %add3A_104, %add3A_88 : vector<256x1xf32>
    %log3A = math.log %div3A_120 : vector<256x1xf32>
    %div3A_121 = arith.divf %add3A_108, %add3A_92 : vector<256x1xf32>
    %log3A_122 = math.log %div3A_121 : vector<256x1xf32>
    %jit3A_123 = arith.constant 0.000000e+00 : f32
    %broadcast_in_dim3A_124 = vector.broadcast %jit3A_123 : f32 to vector<256x1xf32>
    %select_n3A_125 = arith.select %lt3A_68, %slice3A_85, %broadcast_in_dim3A_124 : vector<256x1xi1>, vector<256x1xf32>
    %gt3A = arith.constant 0.000000e+00 : f32
    %gt3A_126 = vector.broadcast %gt3A : f32 to vector<256x1xf32>
    %gt3A_127 = arith.cmpf ogt, %select_n3A_125, %gt3A_126 : vector<256x1xf32>
    %div3A_128 = arith.constant 1.000000e-01 : f32
    %div3A_129 = vector.broadcast %div3A_128 : f32 to vector<256x1xf32>
    %div3A_130 = arith.divf %div3A, %div3A_129 : vector<256x1xf32>
    %jit3A_131 = arith.constant 0.000000e+00 : f32
    %broadcast_in_dim3A_132 = vector.broadcast %jit3A_131 : f32 to vector<256x1xf32>
    %select_n3A_133 = arith.select %gt3A_127, %div3A_130, %broadcast_in_dim3A_132 : vector<256x1xi1>, vector<256x1xf32>
    %div3A_134 = arith.constant 1.000000e-01 : f32
    %div3A_135 = vector.broadcast %div3A_134 : f32 to vector<256x1xf32>
    %div3A_136 = arith.divf %div3A_119, %div3A_135 : vector<256x1xf32>
    %jit3A_137 = arith.constant 0.000000e+00 : f32
    %broadcast_in_dim3A_138 = vector.broadcast %jit3A_137 : f32 to vector<256x1xf32>
    %select_n3A_139 = arith.select %gt3A_127, %div3A_136, %broadcast_in_dim3A_138 : vector<256x1xi1>, vector<256x1xf32>
    %div3A_140 = arith.constant 2.000000e-01 : f32
    %div3A_141 = vector.broadcast %div3A_140 : f32 to vector<256x1xf32>
    %div3A_142 = arith.divf %log3A, %div3A_141 : vector<256x1xf32>
    %jit3A_143 = arith.constant 0.000000e+00 : f32
    %broadcast_in_dim3A_144 = vector.broadcast %jit3A_143 : f32 to vector<256x1xf32>
    %select_n3A_145 = arith.select %gt3A_127, %div3A_142, %broadcast_in_dim3A_144 : vector<256x1xi1>, vector<256x1xf32>
    %div3A_146 = arith.constant 2.000000e-01 : f32
    %div3A_147 = vector.broadcast %div3A_146 : f32 to vector<256x1xf32>
    %div3A_148 = arith.divf %log3A_122, %div3A_147 : vector<256x1xf32>
    %jit3A_149 = arith.constant 0.000000e+00 : f32
    %broadcast_in_dim3A_150 = vector.broadcast %jit3A_149 : f32 to vector<256x1xf32>
    %select_n3A_151 = arith.select %gt3A_127, %div3A_148, %broadcast_in_dim3A_150 : vector<256x1xi1>, vector<256x1xf32>
    %jit3A_152 = arith.constant 1.000000e+00 : f32
    %jit3A_153 = arith.constant 0.000000e+00 : f32
    %broadcast_in_dim3A_154 = vector.broadcast %jit3A_152 : f32 to vector<256x1xf32>
    %broadcast_in_dim3A_155 = vector.broadcast %jit3A_153 : f32 to vector<256x1xf32>
    %select_n3A_156 = arith.select %gt3A_127, %broadcast_in_dim3A_154, %broadcast_in_dim3A_155 : vector<256x1xi1>, vector<256x1xf32>
    %broadcast_in_dim3A_157 = arith.constant 0.000000e+00 : f32
    %broadcast_in_dim3A_158 = vector.broadcast %broadcast_in_dim3A_157 : f32 to vector<256x7xf32>
    %concatenate3A = tpu.concatenate %broadcast_in_dim3A_17, %broadcast_in_dim3A_28, %broadcast_in_dim3A_39, %broadcast_in_dim3A_50, %select_n3A_125, %select_n3A_133, %select_n3A_139, %select_n3A_145, %select_n3A_151, %select_n3A_156, %select_n3A_156, %select_n3A_156, %select_n3A_156, %select_n3A_156, %select_n3A_156, %select_n3A_156, %select_n3A_156, %broadcast_in_dim3A_158 in 1 : vector<256x1xf32>, vector<256x1xf32>, vector<256x1xf32>, vector<256x1xf32>, vector<256x1xf32>, vector<256x1xf32>, vector<256x1xf32>, vector<256x1xf32>, vector<256x1xf32>, vector<256x1xf32>, vector<256x1xf32>, vector<256x1xf32>, vector<256x1xf32>, vector<256x1xf32>, vector<256x1xf32>, vector<256x1xf32>, vector<256x1xf32>, vector<256x7xf32> -> vector<256x24xf32>
    %swap3A = arith.constant 0 : index
    %swap3A_159 = arith.constant 0 : index
    %swap3A_160 = arith.constant 0 : index
    %swap3A_161 = vector.load %arg9[%swap3A, %swap3A_159, %swap3A_160] : memref<1x256x24xf32, #tpu.memory_space<vmem>>, vector<1x256x24xf32>
    %swap3A_162 = vector.shape_cast %swap3A_161 : vector<1x256x24xf32> to vector<256x24xf32>
    %swap3A_163 = vector.shape_cast %concatenate3A : vector<256x24xf32> to vector<1x256x24xf32>
    tpu.vector_store %arg9[%swap3A, %swap3A_159, %swap3A_160], %swap3A_163 {strides = array<i32>} : memref<1x256x24xf32, #tpu.memory_space<vmem>>, vector<1x256x24xf32>,
    return
  }
  func.func @transform_0(%arg0: i32) -> (i32, i32, i32) {
    %c0_i32 = arith.constant 0 : i32
    %c0_i32_0 = arith.constant 0 : i32
    %c0_i32_1 = arith.constant 0 : i32
    return %arg0, %c0_i32, %c0_i32_0 : i32, i32, i32
  }
  func.func @transform_1(%arg0: i32) -> (i32, i32, i32) {
    %c0_i32 = arith.constant 0 : i32
    %c0_i32_0 = arith.constant 0 : i32
    %c0_i32_1 = arith.constant 0 : i32
    return %arg0, %c0_i32, %c0_i32_0 : i32, i32, i32
  }
  func.func @transform_2(%arg0: i32) -> (i32, i32, i32) {
    %c0_i32 = arith.constant 0 : i32
    %c0_i32_0 = arith.constant 0 : i32
    %c0_i32_1 = arith.constant 0 : i32
    return %arg0, %c0_i32, %c0_i32_0 : i32, i32, i32
  }
  func.func @transform_3(%arg0: i32) -> (i32, i32, i32) {
    %c0_i32 = arith.constant 0 : i32
    %c0_i32_0 = arith.constant 0 : i32
    %c0_i32_1 = arith.constant 0 : i32
    return %arg0, %c0_i32, %c0_i32_0 : i32, i32, i32
  }
  func.func @transform_4(%arg0: i32) -> (i32, i32, i32) {
    %c0_i32 = arith.constant 0 : i32
    %c0_i32_0 = arith.constant 0 : i32
    %c0_i32_1 = arith.constant 0 : i32
    return %arg0, %c0_i32, %c0_i32_0 : i32, i32, i32
  }
  func.func @transform_5(%arg0: i32) -> (i32, i32, i32) {
    %c0_i32 = arith.constant 0 : i32
    %c0_i32_0 = arith.constant 0 : i32
    %c0_i32_1 = arith.constant 0 : i32
    return %arg0, %c0_i32, %c0_i32_0 : i32, i32, i32
  }
  func.func @transform_6(%arg0: i32) -> (i32, i32, i32) {
    %c0_i32 = arith.constant 0 : i32
    %c0_i32_0 = arith.constant 0 : i32
    %c0_i32_1 = arith.constant 0 : i32
    return %arg0, %c0_i32, %c0_i32_0 : i32, i32, i32
  }
  func.func @transform_7(%arg0: i32) -> (i32, i32, i32) {
    %c0_i32 = arith.constant 0 : i32
    %c0_i32_0 = arith.constant 0 : i32
    %c0_i32_1 = arith.constant 0 : i32
    return %arg0, %c0_i32, %c0_i32_0 : i32, i32, i32
  }
  func.func @transform_8(%arg0: i32) -> (i32, i32, i32) {
    %c0_i32 = arith.constant 0 : i32
    %c0_i32_0 = arith.constant 0 : i32
    %c0_i32_1 = arith.constant 0 : i32
    return %arg0, %c0_i32, %c0_i32_0 : i32, i32, i32
  }
}

</mosaic_0001>

<sc_bundles>
// kernel: kernel.5.cloned.1.call-start
scs
__scs_entry_jumppad:
0x0: {  	(pc) =	sbr.rel $0x88, $3  }
0x1: {  	(tag) =	ssettag $0x0;
	lr =	simm.s32 $0x1  }
0x2: {  	[smem:$0x3F9F] =	sst lr;
	_ =	strace $0xD0000000  }
0x3: {  	_ = 	snop  }
0x4: {  	_ = 	snop  }
0x5: {  	_ = 	snop  }
0x6: {  	_ = 	snop  }
0x7: {  	_ = 	snop  }
__scs_overlays_trampoline_lowered:
0x8: {  	[smem:$0x3FAE] =	sst s0  }
0x9: {  	[smem:$0x3FAF] =	sst s1  }
0xa: {  	[smem:$0x3FB0] =	sst s2  }
0xb: {  	[smem:$0x3FB1] =	sst s3  }
0xc: {  	[smem:$0x3FB2] =	sst s4  }
0xd: {  	[smem:$0x3FB3] =	sst s5  }
0xe: {  	[smem:$0x3FB4] =	sst s6  }
0xf: {  	[smem:$0x3FB5] =	sst s7  }
0x10: {  	[smem:$0x3FB6] =	sst s8  }
0x11: {  	[smem:$0x3FB7] =	sst s9;
	s0 =	simm.s32 @!p0 $0x0  }
0x12: {  	s1 =	sld [smem:$0x3F9D];
	s0 =	simm.s32 @p0 $0x1  }
0x13: {  	[smem:$0x3FB8] =	sst s0;
	s0 =	simm.s32 @!p1 $0x0  }
0x14: {  	s2 =	sld [smem:$0x3F9C];
	s0 =	simm.s32 @p1 $0x1  }
0x15: {  	[smem:$0x3FB9] =	sst s0;
	s0 =	simm.s32 @!p2 $0x0  }
0x16: {  	s3 =	sld [smem:$0x3FDB];
	s0 =	simm.s32 @p2 $0x1  }
0x17: {  	s4 =	simm.s32 $0x1BF5;
	[smem:$0x3FBB] =	sst s0  }
0x18: {  	s0 =	sld [smem:$0x3F9E];
	_ =	swait.ge [sflag:s4], $0x0  }
0x19: {  	s7 =	sld [smem:$0x3F9F]  }
0x1a: {  	s8 =	sadd.s32 $0xFFFFE003, lr  }
0x1b: {  	s9 =	sadd.s32 $0xFFFFFEF7, lr;
	s5 =	simm.s32 $0xFFFFFFFF;
	p2 =	slt.u32 s8, $0xFFFFF086  }
0x1c: {  	p1 =	slt.u32 s9, $0xF7A;
	s5 =	simm.s32 @!p2 $0x0  }
0x1d: {  	s5 =	simm.s32 @p1 $0x1;
	p0 =	seq.s32 s7, s2  }
0x1e: {  	s7 =	smul.u32 @!p0 $0xF7A, s2;
	p2 =	seq.s32 @!p0 s5, $0x0  }
0x1f: {  	s9 =	smul.u32 $0xF7A, s1;
	s8 =	simm.s32 @!p0 $0x1BF5;
	p2 =	por !p2, p0  }
0x20: {  	[sflag:s8] =	ssyncset.s32 @!p0 $0xFFFFF086;
	s6 =	sadd.s32 @!p0 s3, s7;
	s7 =	simm.s32 @!p0 $0x108  }
0x21: {  	s3 =	sadd.s32 s3, s9;
	s6 =	sadd.s32 @!p0 $0x88, s6;
	s7 =	simm.s32 @p2 $0x1082  }
0x22: {  	[simem:s7], [sflag:s8] =	dma.local @!p0 [hbm:s6], $0xF7A  }
0x23: {  	s9 =	sor.u32 $0xD0000000, s2;
	s6 =	simm.s32 $0x108;
	_ =	swait.ge @!p0 [sflag:s8], $0x0  }
0x24: {  	s3 =	sadd.s32 $0x88, s3;
	s6 =	simm.s32 @!p1 $0x1082;
	[sflag:s4] =	ssyncset.s32 $0xFFFFF086  }
0x25: {  	[simem:s6], [sflag:s4] =	dma.local [hbm:s3], $0xF7A  }
0x26: {  	[smem:$0x3F9F] =	sst s1;
	(tag) =	ssettag s2;
	_ =	strace s9  }
0x27: {  	s1 =	sld [smem:$0x3FAF]  }
0x28: {  	s2 =	sld [smem:$0x3FB0]  }
0x29: {  	s4 =	sld [smem:$0x3FB2]  }
0x2a: {  	p0 =	seq.s32 s5, $0x0;
	s5 =	sld [smem:$0x3FB3]  }
0x2b: {  	s6 =	sld [smem:$0x3FB4]  }
0x2c: {  	s7 =	sld [smem:$0x3FB5]  }
0x2d: {  	s3 =	simm.s32 $0x108;
	s8 =	sld [smem:$0x3FB6]  }
0x2e: {  	s3 =	simm.s32 @!p0 $0x1082;
	s9 =	sld [smem:$0x3FB7]  }
0x2f: {  	lr =	sadd.s32 s0, s3;
	s0 =	sld [smem:$0x3FAE]  }
0x30: {  	s3 =	sld [smem:$0x3FB1]  }
0x31: {  	[smem:$0x3FBA] =	sst s10  }
0x32: {  	s10 =	sld [smem:$0x3FB8];
	_ =	sdelay $0x3  }
0x33: {  	p0 =	seq.s32 s10, $0x1;
	s10 =	sld [smem:$0x3FBA];
	_ =	sdelay $0x3  }
0x34: {  	[smem:$0x3FBA] =	sst s10  }
0x35: {  	s10 =	sld [smem:$0x3FB9];
	_ =	sdelay $0x3  }
0x36: {  	p1 =	seq.s32 s10, $0x1;
	s10 =	sld [smem:$0x3FBA];
	_ =	sdelay $0x3  }
0x37: {  	[smem:$0x3FBA] =	sst s10  }
0x38: {  	s10 =	sld [smem:$0x3FBB]  }
0x39: {  	_ = 	snop;
	(pc) =	sbr.ind lr, $3  }
0x3a: {  	_ = 	snop  }
0x3b: {  	_ = 	snop  }
0x3c: {  	p2 =	seq.s32 s10, $0x1;
	s10 =	sld [smem:$0x3FBA]  }
0x3d: {  	_ =	shalt  }
0x3e: {  	_ =	shalt  }
0x3f: {  	_ =	shalt  }
0x40: {  	_ =	shalt  }
0x41: {  	_ =	shalt  }
0x42: {  	_ =	shalt  }
0x43: {  	_ =	shalt  }
0x44: {  	_ =	shalt  }
0x45: {  	_ =	shalt  }
0x46: {  	_ =	shalt  }
0x47: {  	_ =	shalt  }
0x48: {  	_ =	shalt  }
0x49: {  	_ =	shalt  }
0x4a: {  	_ =	shalt  }
0x4b: {  	_ =	shalt  }
0x4c: {  	_ =	shalt  }
0x4d: {  	_ =	shalt  }
0x4e: {  	_ =	shalt  }
0x4f: {  	_ =	shalt  }
0x50: {  	_ =	shalt  }
0x51: {  	_ =	shalt  }
0x52: {  	_ =	shalt  }
0x53: {  	_ =	shalt  }
0x54: {  	_ =	shalt  }
0x55: {  	_ =	shalt  }
0x56: {  	_ =	shalt  }
0x57: {  	_ =	shalt  }
0x58: {  	_ =	shalt  }
0x59: {  	_ =	shalt  }
0x5a: {  	_ =	shalt  }
0x5b: {  	_ =	shalt  }
0x5c: {  	_ =	shalt  }
0x5d: {  	_ =	shalt  }
0x5e: {  	_ =	shalt  }
0x5f: {  	_ =	shalt  }
0x60: {  	_ =	shalt  }
0x61: {  	_ =	shalt  }
0x62: {  	_ =	shalt  }
0x63: {  	_ =	shalt  }
0x64: {  	_ =	shalt  }
0x65: {  	_ =	shalt  }
0x66: {  	_ =	shalt  }
0x67: {  	_ =	shalt  }
0x68: {  	_ =	shalt  }
0x69: {  	_ =	shalt  }
0x6a: {  	_ =	shalt  }
0x6b: {  	_ =	shalt  }
0x6c: {  	_ =	shalt  }
0x6d: {  	_ =	shalt  }
0x6e: {  	_ =	shalt  }
0x6f: {  	_ =	shalt  }
0x70: {  	_ =	shalt  }
0x71: {  	_ =	shalt  }
0x72: {  	_ =	shalt  }
0x73: {  	_ =	shalt  }
0x74: {  	_ =	shalt  }
0x75: {  	_ =	shalt  }
0x76: {  	_ =	shalt  }
0x77: {  	_ =	shalt  }
0x78: {  	_ =	shalt  }
0x79: {  	_ =	shalt  }
0x7a: {  	_ =	shalt  }
0x7b: {  	_ =	shalt  }
0x7c: {  	_ =	shalt  }
0x7d: {  	_ =	shalt  }
0x7e: {  	_ =	shalt  }
0x7f: {  	_ =	shalt  }
0x80: {  	_ =	shalt  }
0x81: {  	_ =	shalt  }
0x82: {  	_ =	shalt  }
0x83: {  	_ =	shalt  }
0x84: {  	_ =	shalt  }
0x85: {  	_ =	shalt  }
0x86: {  	_ =	shalt  }
0x87: {  	_ =	shalt  }
.Lfunc_end0:
.L_simem_size_0:
called_computation_lowered:
.L_overlay_start_0:
0x88: {  	s2 =	sld [smem:$0x3FD9]  }
0x89: {  	s3 =	sld [smem:$0x3FFE];
	_ =	sdelay $0x1  }
0x8a: {  	s1 =	srdreg.scid  }
0x8b: {  	s0 =	sand.u32 $0x1, s1  }
0x8c: {  	s14 =	sshll.u32 s0, $0xA;
	s2 =	sadd.s32 s3, s2  }
0x8d: {  	s2 =	sadd.s32 s2, s14  }
0x8e: {  	[smem:$0x3FC6] =	sst s2  }
0x8f: {  	_ = 	snop  }
0x90: {  	s2 =	sld [smem:$0x3FD0];
	_ =	sdelay $0x2  }
0x91: {  	s15 =	simm.s32 $0xA;
	s4 =	simm.s32 $0x10  }
0x92: {  	[smem:s4], [sflag:s15] =	dma.local [hbm:s2], $0x1  }
0x93: {  	_ =	swait.eq [sflag:s15], $0x1  }
0x94: {  	[sflag:s15] =	ssyncset.done $0x0  }
0x95: {  	[sflag:s15] =	ssyncadd.s32 $0xFFFFFFFF  }
0x96: {  	s16 =	sld [smem:$0x11];
	(tm) =	ssettm $0x1  }
0x97: {  	s17 =	sld [smem:$0x3FFB];
	_ =	sdelay $0x3  }
0x98: {  	_ =	strace s17  }
0x99: {  	s3 =	sld [smem:$0x3FFC];
	_ =	sdelay $0x3  }
0x9a: {  	_ =	strace s3  }
0x9b: {  	s3 =	sld [smem:$0x3FFD];
	_ =	sdelay $0x3  }
0x9c: {  	_ =	strace s3  }
0x9d: {  	_ =	strace $0x8FFFFFFF  }
0x9e: {  	s18 =	sld [smem:$0x3FDB];
	_ =	sdelay $0x1  }
0x9f: {  	s19 =	simm.s32 $_scs_section_size  }
0xa0: {  	s5 =	simm.s32 $_size__tile_overlayer_lowered;
	s6 =	simm.s32 $_tile_overlayer_lowered  }
0xa1: {  	s22 =	simm.s32 $0x1BFF;
	s21 =	sshll.u32 s6, $0x1;
	s3 =	sadd.s32 s19, s18  }
0xa2: {  	s7 =	simm.s32 $0x0;
	s20 =	sshll.u32 s5, $0x1;
	s5 =	sadd.s32 s21, s3  }
0xa3: {  	[timem:s7], [sflag:s22] =	dma.local [hbm:s5], s20  }
0xa4: {  	_ =	swait.ge [sflag:s22], s20  }
0xa5: {  	s4 =	ssub.s32 $0x0, s20;
	[sflag:s22] =	ssyncset.done $0x0  }
0xa6: {  	[sflag:s22] =	ssyncadd.s32 s4;
	_ =	sdelay $0x1  }
0xa7: {  	s23 =	simm.s32 $0x1B8B  }
0xa8: {  	_ =	swait.ge [sflag:s23], $0x1  }
0xa9: {  	[sflag:s23] =	ssyncset.done $0x0  }
0xaa: {  	s25 =	simm.s32 $0x1B8E;
	s24 =	sld [smem:$0x3FFE];
	[sflag:s23] =	ssyncadd.s32 $0xFFFFFFFF  }
0xab: {  	s26 =	simm.s32 $execute0_lowered;
	[smem:$0x3FD2] =	sst s25  }
0xac: {  	s5 =	sshll.u32 s26, $0x1;
	_ =	strace $0x80000046;
	[dreg:$0x1] =	wrdreg $0xFFFFFFFF  }
0xad: {  	s28 =	simm.s32 $_size_execute0_lowered;
	s3 =	sadd.s32 s3, s5;
	[dreg:$0x0] =	wrdreg $0x0  }
0xae: {  	s5 =	sshll.u32 s28, $0x1;
	[dreg:$0x2] =	wrdreg s3  }
0xaf: {  	[dreg:$0x3] =	wrdreg s5  }
0xb0: {  	[dreg:$0x4] =	wrdreg $0xC0  }
0xb1: {  	_ =	task [dreg:s7], $0x5FFFF  }
0xb2: {  	[dreg:$0x1] =	wrdreg $0xFFFFFFFF  }
0xb3: {  	[dreg:$0x0] =	wrdreg $0x60  }
0xb4: {  	[dreg:$0x2] =	wrdreg s24  }
0xb5: {  	[dreg:$0x3] =	wrdreg s16  }
0xb6: {  	[dreg:$0x4] =	wrdreg $0x9  }
0xb7: {  	_ =	task.clear_ibuf [dreg:s7], $0x5FFFF;
	_ =	strace $0x90000046  }
0xb8: {  	s29 =	simm.s32 $0x9;
	_ =	strace $0x80000048  }
0xb9: {  	_ =	swait.ge [sflag:s29], $0x1  }
0xba: {  	[sflag:s29] =	ssyncadd.s32 $0xFFFFFFFF  }
0xbb: {  	_ =	strace $0x90000048  }
0xbc: {  	_ =	sfence  }
0xbd: {  	s30 =	sld [smem:$0x0];
	_ =	sdelay $0x2  }
0xbe: {  	s31 =	sshll.u32 s1, $0xD;
	s1 =	sshrl.u32 s1, $0x2  }
0xbf: {  	s3 =	sand.u32 $0x4000, s31;
	s1 =	sadd.s32 s1, s30  }
0xc0: {  	s0 =	sor.u32 s3, s0;
	s1 =	sshll.u32 s1, $0x11  }
0xc1: {  	s0 =	sor.u32 s1, s0  }
0xc2: {  	s0 =	sadd.s32 $0x8F2B, s0  }
0xc3: {  	[sflag:s0] =	ssyncadd.remote.s32 $0x1  }
0xc4: {  	_ =	sfence.sel $0xFFFF  }
0xc5: {  	[dreg:$0x0] =	wrdreg $0xFFFFFFFF;
	(pc) =	sbr.abs _section_cstart, $3  }
0xc6: {  	[dreg:$0x1] =	wrdreg $0xFFFFFFFF  }
0xc7: {  	_ =	task.clear_ibuf [dreg:s7], $0x2FFFF;
	_ =	strace $0x9FFFFFFF  }
0xc8: {  	(tm) =	ssettm $0x7FFFFFFF  }
0xc9: {  	_ =	shalt  }
tec
execute0_lowered:
.L_overlay_start_1:
0x0: {  	(tag) =	ssettag $0x1  }
0x1: {  	s1 =	stileid.u32  }
0x2: {  	p0 =	sgt.u32 s1, $0x9  }
.Ltmp0:
0x3: {  	_ = 	snop;
	(pc) =	sbr.rel @p0 .LBB2_9-.Ltmp0, $4  }
0x4: {  	s8 =	rddreg [dreg:$0x0]  }
0x5: {  	s11 =	rddreg [dreg:$0x1];
	s2 =	simm.s32 $0x0  }
0x6: {  	[smem:$0x7FF] =	sst s2  }
0x7: {  	s0 =	rddreg [dreg:$0x2];
	_ =	strace $0x80000047  }
0x8: {  	s3 =	srdreg.scid;
	s16 =	sadd.s32 $0x1C00, s8  }
0x9: {  	s4 =	sshll.u32 s1, $0x1;
	s19 =	sadd.s32 $0x6C00, s8;
	s5 =	sadd.s32 $0xBC00, s8  }
0xa: {  	s17 =	sadd.s32 $0xE400, s8;
	s6 =	sadd.s32 $0x12400, s8;
	s9 =	sand.u32 $0x1, s3  }
0xb: {  	s20 =	sadd.s32 $0x16400, s8;
	s7 =	sadd.s32 $0x1A400, s8;
	s10 =	sor.u32 s9, s4  }
0xc: {  	s3 =	sadd.s32 $0x4400, s8;
	s30 =	ssub.s32 $0x2, s9;
	s12 =	smul.u32 $0x34, s10  }
0xd: {  	s4 =	sadd.s32 $0x9400, s8;
	s8 =	sadd.s32 $0x1E400, s8;
	s18 =	sshrl.u32 s30, $0x1  }
0xe: {  	s13 =	sshrl.u32 s12, $0x3;
	s14 =	sshrl.u32 s12, $0x4;
	s12 =	sshrl.u32 s12, $0x8  }
0xf: {  	s13 =	sand.u32 $0x80, s13;
	s14 =	sand.u32 $0x30, s14;
	s15 =	smul.u32 $0xFFFFFFFB, s12  }
0x10: {  	s13 =	sor.u32 s14, s13;
	s14 =	ssub.s32 s30, s18;
	s18 =	simm.s32 $0x1  }
0x11: {  	s31 =	sadd.s32 s13, s11;
	s21 =	sadd.s32 s10, s15;
	s10 =	sshll.u32 s12, $0xC  }
0x12: {  	s11 =	sadd.s32 s11, s13;
	s12 =	smax.u32 s14, $0x1;
	s14 =	simm.s32 $0x2  }
0x13: {  	s15 =	simm.s32 $0x80;
	s9 =	sadd.s32 $0x40, s31;
	s13 =	sor.u32 $0x800, s10  }
.Ltmp1:
0x14: {  	p2 =	seq.s32 s21, $0x0;
	p0 =	sgt.s32 s21, $0x1;
	(pc) =	sbr.rel .LBB2_2-.Ltmp1, $4  }
0x15: {  	p3 =	seq.s32 s21, $0x2;
	p1 =	seq.s32 @!p2 s21, $0x1;
	s3 =	smov.u32 @p2 s16  }
0x16: {  	s6 =	smov.u32 @p2 s17;
	s16 =	simm.s32 $0x100;
	s17 =	simm.s32 $0x4100  }
0x17: {  	s4 =	smov.u32 @p3 s19;
	p1 =	por p2, p1;
	p2 =	seq.s32 @!p3 s21, $0x3  }
0x18: {  	s7 =	smov.u32 @p3 s20;
	p2 =	por p3, p2;
	p3 =	seq.s32 s21, $0x4  }
.LBB2_3:
.Ltmp2:
0x19: {  	(pc) =	sbr.rel @!p1 .LBB2_8-.Ltmp2, $2  }
0x1a: {  	_ =	sdelay $0x2  }
0x1b: {  	s20 =	smov.u32 s3;
	s19 =	smov.u32 s6  }
.LBB2_7:
0x1c: {  	[tilespmem:s16], [sflag:$0x1] =	stream.indirect.gather [hbm4b:s20+s15], $0x80, s2, s15, $0xb8;
	[tilespmem:$0x8100] =	vst v63  }
0x1d: {  	_ = 	snop  }
0x1e: {  	[tilespmem:s17], [sflag:$0x1] =	stream.indirect.gather [hbm4b:s20+s15], $0x80, s15, s15, $0xb8;
	[tilespmem:$0x8100] =	vst v63  }
0x1f: {  	_ =	swait.ge [sflag:s18], $0x4000  }
0x20: {  	[sflag:s18] =	ssyncset.done $0x0  }
0x21: {  	[sflag:s18] =	ssyncadd.s32 $0xFFFFC000  }
0x22: {  	_ =	swait.ge [sflag:s18], $0x4000  }
0x23: {  	[sflag:s18] =	ssyncset.done $0x0  }
0x24: {  	s30 =	sadd.s32 s19, s10;
	[sflag:s18] =	ssyncadd.s32 $0xFFFFC000  }
0x25: {  	[hbm4b:s30+s2] =	stream.linear.scatter [tilespmem:s16], [sflag:$0x2], $0x4000, $0x38;
	[tilespmem:$0x8100] =	vst v63  }
0x26: {  	_ =	swait.ge [sflag:s14], $0x4000  }
0x27: {  	[sflag:s14] =	ssyncset.done $0x0  }
0x28: {  	s31 =	sadd.s32 s13, s19;
	[sflag:s14] =	ssyncadd.s32 $0xFFFFC000  }
0x29: {  	[hbm4b:s31+s2] =	stream.linear.scatter [tilespmem:s17], [sflag:$0x2], $0x4000, $0x38;
	[tilespmem:$0x8100] =	vst v63  }
0x2a: {  	_ =	swait.ge [sflag:s14], $0x4000  }
0x2b: {  	[sflag:s14] =	ssyncset.done $0x0  }
0x2c: {  	[sflag:s14] =	ssyncadd.s32 $0xFFFFC000  }
.LBB2_8:
0x2d: {  	s12 =	sadd.s32 $0xFFFFFFFF, s12  }
0x2e: {  	p4 =	sne.s32 s12, $0x0  }
.Ltmp3:
0x2f: {  	_ = 	snop;
	(pc) =	sbr.rel @!p4 .LBB2_9-.Ltmp3, $1  }
0x30: {  	_ =	sdelay $0x3  }
.LBB2_2:
0x31: {  	[tilespmem:s2], [sflag:$0x2] =	stream.linear.gather [hbm4b:s11+s2], $0x80, $0x38;
	[tilespmem:$0x8100] =	vst v63  }
0x32: {  	_ =	swait.ge [sflag:s14], $0x80  }
0x33: {  	[sflag:s14] =	ssyncset.done $0x0  }
.Ltmp4:
0x34: {  	[sflag:s14] =	ssyncadd.s32 $0xFFFFFF80;
	(pc) =	sbr.rel @!p0 .LBB2_3-.Ltmp4, $4  }
0x35: {  	[tilespmem:s15], [sflag:$0x2] =	stream.linear.gather [hbm4b:s9+s2], $0x80, $0x38;
	[tilespmem:$0x8100] =	vst v63  }
0x36: {  	_ =	swait.ge [sflag:s14], $0x80  }
0x37: {  	[sflag:s14] =	ssyncset.done $0x0  }
0x38: {  	[sflag:s14] =	ssyncadd.s32 $0xFFFFFF80  }
.Ltmp5:
0x39: {  	(pc) =	sbr.rel @p2 .LBB2_7-.Ltmp5, $2  }
0x3a: {  	_ =	sdelay $0x2  }
0x3b: {  	s20 =	smov.u32 s4;
	s19 =	smov.u32 s7  }
.Ltmp6:
0x3c: {  	(pc) =	sbr.rel @!p3 .LBB2_8-.Ltmp6, $1  }
0x3d: {  	_ =	sdelay $0x3  }
.Ltmp7:
0x3e: {  	(pc) =	sbr.rel .LBB2_7-.Ltmp7, $2  }
0x3f: {  	_ =	sdelay $0x2  }
0x40: {  	s20 =	smov.u32 s5;
	s19 =	smov.u32 s8  }
.LBB2_9:
0x41: {  	_ =	sfence.sel $0x180000  }
0x42: {  	[bflag:$0x0] =	sbarrier.arrive $0xFFFF  }
0x43: {  	p0 =	sne.s32 s1, $0x0;
	_ =	strace $0x90000047  }
0x44: {  	s0 =	sadd.s32 @!p0 $0x100000, s0;
	[bflag:$0x2] =	sbarrier.arrive $0xFFFF  }
0x45: {  	[sflag:s0] =	ssyncadd.tile.s32 @!p0 $0x1;
	_ =	shalt  }
.Lfunc_end2:
_tile_overlayer_lowered:
.L_overlay_start_2:
0x46: {  	(tag) =	ssettag $0x2  }
0x47: {  	s0 =	rddreg [dreg:$0x0];
	s2 =	stileid.u32  }
0x48: {  	s1 =	rddreg [dreg:$0x1];
	p0 =	sne.s32 s2, $0x0  }
0x49: {  	s3 =	rddreg [dreg:$0x2];
	[bflag:$0x3] =	sbarrier.arrive $0xFFFF;
	s2 =	simm.s32 @!p0 $0x1C02  }
0x4a: {  	[timem:s3], [sflag:s2] =	dma.local @!p0 [hbm:s0], s1  }
0x4b: {  	s0 =	simm.s32 @!p0 $0x2  }
0x4c: {  	_ =	swait.ge @!p0 [sflag:s0], s1  }
0x4d: {  	s1 =	ssub.s32 @!p0 $0x0, s1;
	[sflag:s0] =	ssyncset.done @!p0 $0x0  }
0x4e: {  	[sflag:s0] =	ssyncadd.s32 @!p0 s1  }
0x4f: {  	[bflag:$0x3] =	sbarrier.arrive $0xFFFF  }
0x50: {  	_ =	shalt  }

</sc_bundles>
